<compile_context>
chip_gen: v7x
topology: tpu7x:2x2x1
jax: 0.10.2.dev20260603
libtpu: 0.0.44.dev20260713+nightly
codegen_flags: <defaults>
</compile_context>

<pallas_src>
import functools

import jax
import jax.numpy as jnp
from jax import lax
from jax.experimental import pallas as pl
from jax.experimental.pallas import tpu as pltpu
from jax.experimental.pallas import tpu_sc as plsc

_NUM_WORKERS = 32
_CHUNK = 128
_NBUF = 2
_STAGE_SPLIT = 64


@functools.partial(jax.jit, static_argnums=(3,))
def _sc_embed_concat(x2, labels2, table, n_tokens):
    d_x = x2.shape[1]
    d_e = table.shape[1]
    d_out = d_x + d_e
    per_w = n_tokens // _NUM_WORKERS
    steps = per_w // _CHUNK
    rows_per_sub = _STAGE_SPLIT
    mesh = plsc.VectorSubcoreMesh(core_axis_name="c", subcore_axis_name="s")

    @functools.partial(
        pl.kernel,
        mesh=mesh,
        out_type=jax.ShapeDtypeStruct((n_tokens, d_out), jnp.float32),
        scratch_types=[
            pltpu.VMEM((steps, _CHUNK), jnp.int32),
            pltpu.VMEM_SHARED((table.shape[0], d_e), jnp.float32),
        ]
        + [pltpu.VMEM((_CHUNK, d_x), jnp.float32)] * _NBUF
        + [pltpu.VMEM((_CHUNK, d_e), jnp.float32)] * _NBUF
        + [pltpu.SemaphoreType.DMA] * (4 * _NBUF),
    )
    def k(x_hbm, lab_hbm, tab_hbm, out_hbm, idx_v, tab_sp, *bufs_and_sems):
        xbuf = bufs_and_sems[0:_NBUF]
        ebuf = bufs_and_sems[_NBUF:2 * _NBUF]
        sems = bufs_and_sems[2 * _NBUF:]
        sem_xin = sems[0:_NBUF]
        sem_gat = sems[_NBUF:2 * _NBUF]
        sem_xout = sems[2 * _NBUF:3 * _NBUF]
        sem_eout = sems[3 * _NBUF:]
        sid = lax.axis_index("s")
        wid = sid * 2 + lax.axis_index("c")
        base = wid * per_w

        def rows(j):
            return pl.ds(base + j * _CHUNK, _CHUNK)

        xin0 = pltpu.async_copy(x_hbm.at[rows(0), :], xbuf[0], sem_xin[0])

        n_tab = tab_hbm.shape[0]
        last_rows = n_tab - 15 * rows_per_sub

        @pl.when(sid < 15)
        def _():
            tr = pl.ds(sid * rows_per_sub, rows_per_sub)
            pltpu.sync_copy(tab_hbm.at[tr, :], tab_sp.at[tr, :])

        @pl.when(sid == 15)
        def _():
            tr = pl.ds(15 * rows_per_sub, last_rows)
            pltpu.sync_copy(tab_hbm.at[tr, :], tab_sp.at[tr, :])
        pltpu.sync_copy(lab_hbm.at[pl.ds(wid * steps, steps), :], idx_v)
        plsc.subcore_barrier()

        def start_gat(j):
            p = j % _NBUF
            return pltpu.async_copy(tab_sp.at[idx_v.at[j]], ebuf[p], sem_gat[p])

        def start_reads(j):
            p = j % _NBUF
            xin = pltpu.async_copy(x_hbm.at[rows(j), :], xbuf[p], sem_xin[p])
            return xin, start_gat(j)

        reads = [None] * _NBUF
        writes = [None] * _NBUF
        reads[0] = (xin0, start_gat(0))
        for j in range(1, min(_NBUF - 1, steps)):
            reads[j % _NBUF] = start_reads(j)
        for j in range(steps):
            p = j % _NBUF
            nxt = j + _NBUF - 1
            if nxt < steps:
                q = nxt % _NBUF
                if writes[q] is not None:
                    writes[q][0].wait()
                    writes[q][1].wait()
                reads[q] = start_reads(nxt)
            xin, gat = reads[p]
            gat.wait()
            w_e = pltpu.async_copy(ebuf[p], out_hbm.at[rows(j), pl.ds(d_x, d_e)], sem_eout[p])
            xin.wait()
            w_x = pltpu.async_copy(xbuf[p], out_hbm.at[rows(j), pl.ds(0, d_x)], sem_xout[p])
            writes[p] = (w_x, w_e)
        for w in writes:
            if w is not None:
                w[0].wait()
                w[1].wait()

    return k(x2, labels2, table)


def kernel(x, sem_labels, embedding_weight, bbox):
    b, t, d_x = x.shape
    n = b * t
    x2 = x.reshape(n, d_x)
    labels2 = sem_labels.reshape(n // _CHUNK, _CHUNK).astype(jnp.int32)
    d_e = embedding_weight.shape[1]
    out2 = _sc_embed_concat(x2, labels2, embedding_weight, n)
    return out2.reshape(b, t, d_x + d_e)

# --- scband reference (transcript-rebuilt; emitter-appended) ---
"""Pipeline reference for scband-semantic-embedding-72980084293960 (READ-ONLY COPY).

The authoritative reference and input builder live on the scoring server;
editing this copy changes nothing except your own understanding.
"""

import jax, jax.numpy as jnp
import numpy as np


def setup_inputs(seed: int = 0) -> dict:
    key = jax.random.key(seed)
    k1, k2, k3 = jax.random.split(key, 3)
    x = jax.random.normal(k1, (64, 1024, 256), dtype=jnp.float32)
    sem_labels = jax.random.randint(k2, (64, 1024), 0, 1000)
    embedding_weight = jax.random.normal(k3, (1000, 128), dtype=jnp.float32) * 0.02
    return {"x": x, "sem_labels": sem_labels, "embedding_weight": embedding_weight, "bbox": 1}


def reference(x, sem_labels, embedding_weight, bbox=1):
    # bbox=True path: sem_labels are already patch-level class ids, no SegMaskToPatches.
    semantic_emb = jnp.take(embedding_weight, sem_labels.astype(jnp.int32), axis=0)
    # assert x.shape[1] == semantic_emb.shape[1] (sequence/patch dim matches)
    out = jnp.concatenate([x, semantic_emb], axis=2)
    return out

if __name__ == "__main__":
    import jax
    _d = setup_inputs()
    print(jax.jit(kernel)(*tuple(_d.values())))

</pallas_src>

<mosaic_0001>
#map = affine_map<(d0, d1) -> (0, 0)>
module attributes {stable_mosaic.version = 14 : i64} {
  func.func @k(%arg0: i32, %arg1: i32, %arg2: memref<65536x256xf32, #tpu.memory_space<hbm>>, %arg3: memref<512x128xi32, #tpu.memory_space<hbm>>, %arg4: memref<1000x128xf32, #tpu.memory_space<hbm>>, %arg5: memref<65536x384xf32, #tpu.memory_space<hbm>>, %arg6: memref<16x128xi32, #tpu.memory_space<vmem>>, %arg7: memref<1000x128xf32, #tpu.memory_space<vmem_shared>>, %arg8: memref<128x256xf32, #tpu.memory_space<vmem>>, %arg9: memref<128x256xf32, #tpu.memory_space<vmem>>, %arg10: memref<128x128xf32, #tpu.memory_space<vmem>>, %arg11: memref<128x128xf32, #tpu.memory_space<vmem>>, %arg12: memref<!tpu.dma_semaphore, #tpu.memory_space<semaphore_mem>>, %arg13: memref<!tpu.dma_semaphore, #tpu.memory_space<semaphore_mem>>, %arg14: memref<!tpu.dma_semaphore, #tpu.memory_space<semaphore_mem>>, %arg15: memref<!tpu.dma_semaphore, #tpu.memory_space<semaphore_mem>>, %arg16: memref<!tpu.dma_semaphore, #tpu.memory_space<semaphore_mem>>, %arg17: memref<!tpu.dma_semaphore, #tpu.memory_space<semaphore_mem>>, %arg18: memref<!tpu.dma_semaphore, #tpu.memory_space<semaphore_mem>>, %arg19: memref<!tpu.dma_semaphore, #tpu.memory_space<semaphore_mem>>) attributes {dimension_semantics = [#tpu.dimension_semantics<core_parallel>, #tpu.dimension_semantics<subcore_parallel>], iteration_bounds = array<i64: 2, 16>, scalar_prefetch = 0 : i64, scratch_operands = 14 : i64, tpu.core_type = #tpu.core_type<sc_vector_subcore>, window_params = [{transform_indices = #map}, {transform_indices = #map}, {transform_indices = #map}, {transform_indices = #map}]} {
    %mul3A = arith.constant 2 : i32
    %mul3A_0 = arith.muli %arg1, %mul3A : i32
    %add3A = arith.addi %mul3A_0, %arg0 : i32
    %mul3A_1 = arith.constant 2048 : i32
    %mul3A_2 = arith.muli %add3A, %mul3A_1 : i32
    %add3A_3 = arith.constant 0 : i32
    %add3A_4 = arith.addi %mul3A_2, %add3A_3 : i32
    %dma_start3A = arith.constant 0 : i32
    %dma_start3A_5 = tpu.memref_slice %arg2[%add3A_4, %dma_start3A] : memref<65536x256xf32, #tpu.memory_space<hbm>> -> memref<128x256xf32, #tpu.memory_space<hbm>>
    %dma_start3A_6 = arith.constant 0 : i32
    %dma_start3A_7 = tpu.memref_slice %arg2[%add3A_4, %dma_start3A_6] : memref<65536x256xf32, #tpu.memory_space<hbm>> -> memref<128x256xf32, #tpu.memory_space<hbm>>
    tpu.enqueue_dma source(%dma_start3A_7 : memref<128x256xf32, #tpu.memory_space<hbm>>) target(%arg8 : memref<128x256xf32, #tpu.memory_space<vmem>>) target_semaphore(%arg12 : memref<!tpu.dma_semaphore, #tpu.memory_space<semaphore_mem>>)
    %lt3A = arith.constant 15 : i32
    %lt3A_8 = arith.cmpi slt, %arg1, %lt3A : i32
    %convert_element_type3A = arith.extui %lt3A_8 : i1 to i32
    %cond3A = arith.constant 0 : i32
    %cond3A_9 = arith.cmpi ne, %convert_element_type3A, %cond3A : i32
    scf.if %cond3A_9 {
      %mul3A_713 = arith.constant 64 : i32
      %mul3A_714 = arith.muli %arg1, %mul3A_713 : i32
      "tpu.region"() ({
        %run_scoped3A = tpu.sem_alloc : memref<!tpu.dma_semaphore, #tpu.memory_space<semaphore_mem>>
        %dma_start3A_715 = arith.constant 0 : i32
        %dma_start3A_716 = tpu.memref_slice %arg7[%mul3A_714, %dma_start3A_715] : memref<1000x128xf32, #tpu.memory_space<vmem_shared>> -> memref<64x128xf32, #tpu.memory_space<vmem_shared>>
        %dma_start3A_717 = arith.constant 0 : i32
        %dma_start3A_718 = tpu.memref_slice %arg4[%mul3A_714, %dma_start3A_717] : memref<1000x128xf32, #tpu.memory_space<hbm>> -> memref<64x128xf32, #tpu.memory_space<hbm>>
        tpu.enqueue_dma source(%dma_start3A_718 : memref<64x128xf32, #tpu.memory_space<hbm>>) target(%dma_start3A_716 : memref<64x128xf32, #tpu.memory_space<vmem_shared>>) target_semaphore(%run_scoped3A : memref<!tpu.dma_semaphore, #tpu.memory_space<semaphore_mem>>)
        %dma_wait3A_719 = arith.constant 0 : i32
        %dma_wait3A_720 = tpu.memref_slice %arg7[%mul3A_714, %dma_wait3A_719] : memref<1000x128xf32, #tpu.memory_space<vmem_shared>> -> memref<64x128xf32, #tpu.memory_space<vmem_shared>>
        %dma_wait3A_721 = arith.constant 0 : i32
        %dma_wait3A_722 = tpu.memref_slice %arg4[%mul3A_714, %dma_wait3A_721] : memref<1000x128xf32, #tpu.memory_space<hbm>> -> memref<64x128xf32, #tpu.memory_space<hbm>>
        tpu.wait_dma2 semaphore(%run_scoped3A : memref<!tpu.dma_semaphore, #tpu.memory_space<semaphore_mem>>) src(%dma_wait3A_722 : memref<64x128xf32, #tpu.memory_space<hbm>>) dst(%dma_wait3A_720 : memref<64x128xf32, #tpu.memory_space<vmem_shared>>)
        tpu.yield
      }) : () -> ()
    } else {
    }
    %eq3A = arith.constant 15 : i32
    %eq3A_10 = arith.cmpi eq, %arg1, %eq3A : i32
    %convert_element_type3A_11 = arith.extui %eq3A_10 : i1 to i32
    %cond3A_12 = arith.constant 0 : i32
    %cond3A_13 = arith.cmpi ne, %convert_element_type3A_11, %cond3A_12 : i32
    scf.if %cond3A_13 {
      "tpu.region"() ({
        %run_scoped3A = tpu.sem_alloc : memref<!tpu.dma_semaphore, #tpu.memory_space<semaphore_mem>>
        %dma_start3A_713 = arith.constant 960 : i32
        %dma_start3A_714 = arith.constant 0 : i32
        %dma_start3A_715 = tpu.memref_slice %arg7[%dma_start3A_713, %dma_start3A_714] : memref<1000x128xf32, #tpu.memory_space<vmem_shared>> -> memref<40x128xf32, #tpu.memory_space<vmem_shared>>
        %dma_start3A_716 = arith.constant 960 : i32
        %dma_start3A_717 = arith.constant 0 : i32
        %dma_start3A_718 = tpu.memref_slice %arg4[%dma_start3A_716, %dma_start3A_717] : memref<1000x128xf32, #tpu.memory_space<hbm>> -> memref<40x128xf32, #tpu.memory_space<hbm>>
        tpu.enqueue_dma source(%dma_start3A_718 : memref<40x128xf32, #tpu.memory_space<hbm>>) target(%dma_start3A_715 : memref<40x128xf32, #tpu.memory_space<vmem_shared>>) target_semaphore(%run_scoped3A : memref<!tpu.dma_semaphore, #tpu.memory_space<semaphore_mem>>)
        %dma_wait3A_719 = arith.constant 960 : i32
        %dma_wait3A_720 = arith.constant 0 : i32
        %dma_wait3A_721 = tpu.memref_slice %arg7[%dma_wait3A_719, %dma_wait3A_720] : memref<1000x128xf32, #tpu.memory_space<vmem_shared>> -> memref<40x128xf32, #tpu.memory_space<vmem_shared>>
        %dma_wait3A_722 = arith.constant 960 : i32
        %dma_wait3A_723 = arith.constant 0 : i32
        %dma_wait3A_724 = tpu.memref_slice %arg4[%dma_wait3A_722, %dma_wait3A_723] : memref<1000x128xf32, #tpu.memory_space<hbm>> -> memref<40x128xf32, #tpu.memory_space<hbm>>
        tpu.wait_dma2 semaphore(%run_scoped3A : memref<!tpu.dma_semaphore, #tpu.memory_space<semaphore_mem>>) src(%dma_wait3A_724 : memref<40x128xf32, #tpu.memory_space<hbm>>) dst(%dma_wait3A_721 : memref<40x128xf32, #tpu.memory_space<vmem_shared>>)
        tpu.yield
      }) : () -> ()
    } else {
    }
    %mul3A_14 = arith.constant 16 : i32
    %mul3A_15 = arith.muli %add3A, %mul3A_14 : i32
    "tpu.region"() ({
      %run_scoped3A = tpu.sem_alloc : memref<!tpu.dma_semaphore, #tpu.memory_space<semaphore_mem>>
      %dma_start3A_713 = arith.constant 0 : i32
      %dma_start3A_714 = tpu.memref_slice %arg3[%mul3A_15, %dma_start3A_713] : memref<512x128xi32, #tpu.memory_space<hbm>> -> memref<16x128xi32, #tpu.memory_space<hbm>>
      %dma_start3A_715 = arith.constant 0 : i32
      %dma_start3A_716 = tpu.memref_slice %arg3[%mul3A_15, %dma_start3A_715] : memref<512x128xi32, #tpu.memory_space<hbm>> -> memref<16x128xi32, #tpu.memory_space<hbm>>
      tpu.enqueue_dma source(%dma_start3A_716 : memref<16x128xi32, #tpu.memory_space<hbm>>) target(%arg6 : memref<16x128xi32, #tpu.memory_space<vmem>>) target_semaphore(%run_scoped3A : memref<!tpu.dma_semaphore, #tpu.memory_space<semaphore_mem>>)
      %dma_wait3A_717 = arith.constant 0 : i32
      %dma_wait3A_718 = tpu.memref_slice %arg3[%mul3A_15, %dma_wait3A_717] : memref<512x128xi32, #tpu.memory_space<hbm>> -> memref<16x128xi32, #tpu.memory_space<hbm>>
      %dma_wait3A_719 = arith.constant 0 : i32
      %dma_wait3A_720 = tpu.memref_slice %arg3[%mul3A_15, %dma_wait3A_719] : memref<512x128xi32, #tpu.memory_space<hbm>> -> memref<16x128xi32, #tpu.memory_space<hbm>>
      tpu.wait_dma2 semaphore(%run_scoped3A : memref<!tpu.dma_semaphore, #tpu.memory_space<semaphore_mem>>) src(%dma_wait3A_720 : memref<16x128xi32, #tpu.memory_space<hbm>>) dst(%arg6 : memref<16x128xi32, #tpu.memory_space<vmem>>)
      tpu.yield
    }) : () -> ()
    %barrier3A = arith.constant 0 : index
    tpu.barrier barrier_id(%barrier3A)
    %dma_start3A_16 = arith.constant 0 : i32
    %dma_start3A_17 = arith.constant 0 : i32
    %dma_start3A_18 = tpu.memref_slice %arg6[%dma_start3A_16, %dma_start3A_17] : memref<16x128xi32, #tpu.memory_space<vmem>> -> memref<1x128xi32, #tpu.memory_space<vmem>>
    %dma_start3A_19 = tpu.memref_squeeze %dma_start3A_18 : memref<1x128xi32, #tpu.memory_space<vmem>> -> memref<128xi32, #tpu.memory_space<vmem>>
    %dma_start3A_20 = arith.constant 0 : i32
    %dma_start3A_21 = arith.constant 0 : i32
    %dma_start3A_22 = tpu.memref_slice %arg7[%dma_start3A_20, %dma_start3A_21] : memref<1000x128xf32, #tpu.memory_space<vmem_shared>> -> memref<1000x128xf32, #tpu.memory_space<vmem_shared>>
    tpu.enqueue_indirect_dma source(%dma_start3A_22 : memref<1000x128xf32, #tpu.memory_space<vmem_shared>>) target(%arg10 : memref<128x128xf32, #tpu.memory_space<vmem>>) offsets(%dma_start3A_19 : memref<128xi32, #tpu.memory_space<vmem>>) semaphore(%arg14 : memref<!tpu.dma_semaphore, #tpu.memory_space<semaphore_mem>>)
    %add3A_23 = arith.constant 128 : i32
    %add3A_24 = arith.addi %mul3A_2, %add3A_23 : i32
    %dma_start3A_25 = arith.constant 0 : i32
    %dma_start3A_26 = tpu.memref_slice %arg2[%add3A_24, %dma_start3A_25] : memref<65536x256xf32, #tpu.memory_space<hbm>> -> memref<128x256xf32, #tpu.memory_space<hbm>>
    %dma_start3A_27 = arith.constant 0 : i32
    %dma_start3A_28 = tpu.memref_slice %arg2[%add3A_24, %dma_start3A_27] : memref<65536x256xf32, #tpu.memory_space<hbm>> -> memref<128x256xf32, #tpu.memory_space<hbm>>
    tpu.enqueue_dma source(%dma_start3A_28 : memref<128x256xf32, #tpu.memory_space<hbm>>) target(%arg9 : memref<128x256xf32, #tpu.memory_space<vmem>>) target_semaphore(%arg13 : memref<!tpu.dma_semaphore, #tpu.memory_space<semaphore_mem>>)
    %dma_start3A_29 = arith.constant 1 : i32
    %dma_start3A_30 = arith.constant 0 : i32
    %dma_start3A_31 = tpu.memref_slice %arg6[%dma_start3A_29, %dma_start3A_30] : memref<16x128xi32, #tpu.memory_space<vmem>> -> memref<1x128xi32, #tpu.memory_space<vmem>>
    %dma_start3A_32 = tpu.memref_squeeze %dma_start3A_31 : memref<1x128xi32, #tpu.memory_space<vmem>> -> memref<128xi32, #tpu.memory_space<vmem>>
    %dma_start3A_33 = arith.constant 0 : i32
    %dma_start3A_34 = arith.constant 0 : i32
    %dma_start3A_35 = tpu.memref_slice %arg7[%dma_start3A_33, %dma_start3A_34] : memref<1000x128xf32, #tpu.memory_space<vmem_shared>> -> memref<1000x128xf32, #tpu.memory_space<vmem_shared>>
    tpu.enqueue_indirect_dma source(%dma_start3A_35 : memref<1000x128xf32, #tpu.memory_space<vmem_shared>>) target(%arg11 : memref<128x128xf32, #tpu.memory_space<vmem>>) offsets(%dma_start3A_32 : memref<128xi32, #tpu.memory_space<vmem>>) semaphore(%arg15 : memref<!tpu.dma_semaphore, #tpu.memory_space<semaphore_mem>>)
    %dma_wait3A = arith.constant 0 : i32
    %dma_wait3A_36 = arith.constant 0 : i32
    %dma_wait3A_37 = tpu.memref_slice %arg6[%dma_wait3A, %dma_wait3A_36] : memref<16x128xi32, #tpu.memory_space<vmem>> -> memref<1x128xi32, #tpu.memory_space<vmem>>
    %dma_wait3A_38 = tpu.memref_squeeze %dma_wait3A_37 : memref<1x128xi32, #tpu.memory_space<vmem>> -> memref<128xi32, #tpu.memory_space<vmem>>
    %dma_wait3A_39 = arith.constant 0 : i32
    %dma_wait3A_40 = arith.constant 0 : i32
    %dma_wait3A_41 = tpu.memref_slice %arg7[%dma_wait3A_39, %dma_wait3A_40] : memref<1000x128xf32, #tpu.memory_space<vmem_shared>> -> memref<1000x128xf32, #tpu.memory_space<vmem_shared>>
    tpu.wait_indirect_dma semaphore(%arg14 : memref<!tpu.dma_semaphore, #tpu.memory_space<semaphore_mem>>) src(%dma_wait3A_41 : memref<1000x128xf32, #tpu.memory_space<vmem_shared>>) dst(%arg10 : memref<128x128xf32, #tpu.memory_space<vmem>>)
    %add3A_42 = arith.constant 0 : i32
    %add3A_43 = arith.addi %mul3A_2, %add3A_42 : i32
    %dma_start3A_44 = arith.constant 256 : i32
    %dma_start3A_45 = tpu.memref_slice %arg5[%add3A_43, %dma_start3A_44] : memref<65536x384xf32, #tpu.memory_space<hbm>> -> memref<128x128xf32, #tpu.memory_space<hbm>>
    %dma_start3A_46 = arith.constant 256 : i32
    %dma_start3A_47 = tpu.memref_slice %arg5[%add3A_43, %dma_start3A_46] : memref<65536x384xf32, #tpu.memory_space<hbm>> -> memref<128x128xf32, #tpu.memory_space<hbm>>
    tpu.enqueue_dma source(%arg10 : memref<128x128xf32, #tpu.memory_space<vmem>>) target(%dma_start3A_47 : memref<128x128xf32, #tpu.memory_space<hbm>>) target_semaphore(%arg18 : memref<!tpu.dma_semaphore, #tpu.memory_space<semaphore_mem>>)
    %dma_wait3A_48 = arith.constant 0 : i32
    %dma_wait3A_49 = tpu.memref_slice %arg2[%add3A_4, %dma_wait3A_48] : memref<65536x256xf32, #tpu.memory_space<hbm>> -> memref<128x256xf32, #tpu.memory_space<hbm>>
    %dma_wait3A_50 = arith.constant 0 : i32
    %dma_wait3A_51 = tpu.memref_slice %arg2[%add3A_4, %dma_wait3A_50] : memref<65536x256xf32, #tpu.memory_space<hbm>> -> memref<128x256xf32, #tpu.memory_space<hbm>>
    tpu.wait_dma2 semaphore(%arg12 : memref<!tpu.dma_semaphore, #tpu.memory_space<semaphore_mem>>) src(%dma_wait3A_51 : memref<128x256xf32, #tpu.memory_space<hbm>>) dst(%arg8 : memref<128x256xf32, #tpu.memory_space<vmem>>)
    %add3A_52 = arith.constant 0 : i32
    %add3A_53 = arith.addi %mul3A_2, %add3A_52 : i32
    %dma_start3A_54 = arith.constant 0 : i32
    %dma_start3A_55 = tpu.memref_slice %arg5[%add3A_53, %dma_start3A_54] : memref<65536x384xf32, #tpu.memory_space<hbm>> -> memref<128x256xf32, #tpu.memory_space<hbm>>
    %dma_start3A_56 = arith.constant 0 : i32
    %dma_start3A_57 = tpu.memref_slice %arg5[%add3A_53, %dma_start3A_56] : memref<65536x384xf32, #tpu.memory_space<hbm>> -> memref<128x256xf32, #tpu.memory_space<hbm>>
    tpu.enqueue_dma source(%arg8 : memref<128x256xf32, #tpu.memory_space<vmem>>) target(%dma_start3A_57 : memref<128x256xf32, #tpu.memory_space<hbm>>) target_semaphore(%arg16 : memref<!tpu.dma_semaphore, #tpu.memory_space<semaphore_mem>>)
    %dma_wait3A_58 = arith.constant 0 : i32
    %dma_wait3A_59 = tpu.memref_slice %arg5[%add3A_53, %dma_wait3A_58] : memref<65536x384xf32, #tpu.memory_space<hbm>> -> memref<128x256xf32, #tpu.memory_space<hbm>>
    %dma_wait3A_60 = arith.constant 0 : i32
    %dma_wait3A_61 = tpu.memref_slice %arg5[%add3A_53, %dma_wait3A_60] : memref<65536x384xf32, #tpu.memory_space<hbm>> -> memref<128x256xf32, #tpu.memory_space<hbm>>
    tpu.wait_dma2 semaphore(%arg16 : memref<!tpu.dma_semaphore, #tpu.memory_space<semaphore_mem>>) src(%arg8 : memref<128x256xf32, #tpu.memory_space<vmem>>) dst(%dma_wait3A_61 : memref<128x256xf32, #tpu.memory_space<hbm>>)
    %dma_wait3A_62 = arith.constant 256 : i32
    %dma_wait3A_63 = tpu.memref_slice %arg5[%add3A_43, %dma_wait3A_62] : memref<65536x384xf32, #tpu.memory_space<hbm>> -> memref<128x128xf32, #tpu.memory_space<hbm>>
    %dma_wait3A_64 = arith.constant 256 : i32
    %dma_wait3A_65 = tpu.memref_slice %arg5[%add3A_43, %dma_wait3A_64] : memref<65536x384xf32, #tpu.memory_space<hbm>> -> memref<128x128xf32, #tpu.memory_space<hbm>>
    tpu.wait_dma2 semaphore(%arg18 : memref<!tpu.dma_semaphore, #tpu.memory_space<semaphore_mem>>) src(%arg10 : memref<128x128xf32, #tpu.memory_space<vmem>>) dst(%dma_wait3A_65 : memref<128x128xf32, #tpu.memory_space<hbm>>)
    %add3A_66 = arith.constant 256 : i32
    %add3A_67 = arith.addi %mul3A_2, %add3A_66 : i32
    %dma_start3A_68 = arith.constant 0 : i32
    %dma_start3A_69 = tpu.memref_slice %arg2[%add3A_67, %dma_start3A_68] : memref<65536x256xf32, #tpu.memory_space<hbm>> -> memref<128x256xf32, #tpu.memory_space<hbm>>
    %dma_start3A_70 = arith.constant 0 : i32
    %dma_start3A_71 = tpu.memref_slice %arg2[%add3A_67, %dma_start3A_70] : memref<65536x256xf32, #tpu.memory_space<hbm>> -> memref<128x256xf32, #tpu.memory_space<hbm>>
    tpu.enqueue_dma source(%dma_start3A_71 : memref<128x256xf32, #tpu.memory_space<hbm>>) target(%arg8 : memref<128x256xf32, #tpu.memory_space<vmem>>) target_semaphore(%arg12 : memref<!tpu.dma_semaphore, #tpu.memory_space<semaphore_mem>>)
    %dma_start3A_72 = arith.constant 2 : i32
    %dma_start3A_73 = arith.constant 0 : i32
    %dma_start3A_74 = tpu.memref_slice %arg6[%dma_start3A_72, %dma_start3A_73] : memref<16x128xi32, #tpu.memory_space<vmem>> -> memref<1x128xi32, #tpu.memory_space<vmem>>
    %dma_start3A_75 = tpu.memref_squeeze %dma_start3A_74 : memref<1x128xi32, #tpu.memory_space<vmem>> -> memref<128xi32, #tpu.memory_space<vmem>>
    %dma_start3A_76 = arith.constant 0 : i32
    %dma_start3A_77 = arith.constant 0 : i32
    %dma_start3A_78 = tpu.memref_slice %arg7[%dma_start3A_76, %dma_start3A_77] : memref<1000x128xf32, #tpu.memory_space<vmem_shared>> -> memref<1000x128xf32, #tpu.memory_space<vmem_shared>>
    tpu.enqueue_indirect_dma source(%dma_start3A_78 : memref<1000x128xf32, #tpu.memory_space<vmem_shared>>) target(%arg10 : memref<128x128xf32, #tpu.memory_space<vmem>>) offsets(%dma_start3A_75 : memref<128xi32, #tpu.memory_space<vmem>>) semaphore(%arg14 : memref<!tpu.dma_semaphore, #tpu.memory_space<semaphore_mem>>)
    %dma_wait3A_79 = arith.constant 1 : i32
    %dma_wait3A_80 = arith.constant 0 : i32
    %dma_wait3A_81 = tpu.memref_slice %arg6[%dma_wait3A_79, %dma_wait3A_80] : memref<16x128xi32, #tpu.memory_space<vmem>> -> memref<1x128xi32, #tpu.memory_space<vmem>>
    %dma_wait3A_82 = tpu.memref_squeeze %dma_wait3A_81 : memref<1x128xi32, #tpu.memory_space<vmem>> -> memref<128xi32, #tpu.memory_space<vmem>>
    %dma_wait3A_83 = arith.constant 0 : i32
    %dma_wait3A_84 = arith.constant 0 : i32
    %dma_wait3A_85 = tpu.memref_slice %arg7[%dma_wait3A_83, %dma_wait3A_84] : memref<1000x128xf32, #tpu.memory_space<vmem_shared>> -> memref<1000x128xf32, #tpu.memory_space<vmem_shared>>
    tpu.wait_indirect_dma semaphore(%arg15 : memref<!tpu.dma_semaphore, #tpu.memory_space<semaphore_mem>>) src(%dma_wait3A_85 : memref<1000x128xf32, #tpu.memory_space<vmem_shared>>) dst(%arg11 : memref<128x128xf32, #tpu.memory_space<vmem>>)
    %add3A_86 = arith.constant 128 : i32
    %add3A_87 = arith.addi %mul3A_2, %add3A_86 : i32
    %dma_start3A_88 = arith.constant 256 : i32
    %dma_start3A_89 = tpu.memref_slice %arg5[%add3A_87, %dma_start3A_88] : memref<65536x384xf32, #tpu.memory_space<hbm>> -> memref<128x128xf32, #tpu.memory_space<hbm>>
    %dma_start3A_90 = arith.constant 256 : i32
    %dma_start3A_91 = tpu.memref_slice %arg5[%add3A_87, %dma_start3A_90] : memref<65536x384xf32, #tpu.memory_space<hbm>> -> memref<128x128xf32, #tpu.memory_space<hbm>>
    tpu.enqueue_dma source(%arg11 : memref<128x128xf32, #tpu.memory_space<vmem>>) target(%dma_start3A_91 : memref<128x128xf32, #tpu.memory_space<hbm>>) target_semaphore(%arg19 : memref<!tpu.dma_semaphore, #tpu.memory_space<semaphore_mem>>)
    %dma_wait3A_92 = arith.constant 0 : i32
    %dma_wait3A_93 = tpu.memref_slice %arg2[%add3A_24, %dma_wait3A_92] : memref<65536x256xf32, #tpu.memory_space<hbm>> -> memref<128x256xf32, #tpu.memory_space<hbm>>
    %dma_wait3A_94 = arith.constant 0 : i32
    %dma_wait3A_95 = tpu.memref_slice %arg2[%add3A_24, %dma_wait3A_94] : memref<65536x256xf32, #tpu.memory_space<hbm>> -> memref<128x256xf32, #tpu.memory_space<hbm>>
    tpu.wait_dma2 semaphore(%arg13 : memref<!tpu.dma_semaphore, #tpu.memory_space<semaphore_mem>>) src(%dma_wait3A_95 : memref<128x256xf32, #tpu.memory_space<hbm>>) dst(%arg9 : memref<128x256xf32, #tpu.memory_space<vmem>>)
    %add3A_96 = arith.constant 128 : i32
    %add3A_97 = arith.addi %mul3A_2, %add3A_96 : i32
    %dma_start3A_98 = arith.constant 0 : i32
    %dma_start3A_99 = tpu.memref_slice %arg5[%add3A_97, %dma_start3A_98] : memref<65536x384xf32, #tpu.memory_space<hbm>> -> memref<128x256xf32, #tpu.memory_space<hbm>>
    %dma_start3A_100 = arith.constant 0 : i32
    %dma_start3A_101 = tpu.memref_slice %arg5[%add3A_97, %dma_start3A_100] : memref<65536x384xf32, #tpu.memory_space<hbm>> -> memref<128x256xf32, #tpu.memory_space<hbm>>
    tpu.enqueue_dma source(%arg9 : memref<128x256xf32, #tpu.memory_space<vmem>>) target(%dma_start3A_101 : memref<128x256xf32, #tpu.memory_space<hbm>>) target_semaphore(%arg17 : memref<!tpu.dma_semaphore, #tpu.memory_space<semaphore_mem>>)
    %dma_wait3A_102 = arith.constant 0 : i32
    %dma_wait3A_103 = tpu.memref_slice %arg5[%add3A_97, %dma_wait3A_102] : memref<65536x384xf32, #tpu.memory_space<hbm>> -> memref<128x256xf32, #tpu.memory_space<hbm>>
    %dma_wait3A_104 = arith.constant 0 : i32
    %dma_wait3A_105 = tpu.memref_slice %arg5[%add3A_97, %dma_wait3A_104] : memref<65536x384xf32, #tpu.memory_space<hbm>> -> memref<128x256xf32, #tpu.memory_space<hbm>>
    tpu.wait_dma2 semaphore(%arg17 : memref<!tpu.dma_semaphore, #tpu.memory_space<semaphore_mem>>) src(%arg9 : memref<128x256xf32, #tpu.memory_space<vmem>>) dst(%dma_wait3A_105 : memref<128x256xf32, #tpu.memory_space<hbm>>)
    %dma_wait3A_106 = arith.constant 256 : i32
    %dma_wait3A_107 = tpu.memref_slice %arg5[%add3A_87, %dma_wait3A_106] : memref<65536x384xf32, #tpu.memory_space<hbm>> -> memref<128x128xf32, #tpu.memory_space<hbm>>
    %dma_wait3A_108 = arith.constant 256 : i32
    %dma_wait3A_109 = tpu.memref_slice %arg5[%add3A_87, %dma_wait3A_108] : memref<65536x384xf32, #tpu.memory_space<hbm>> -> memref<128x128xf32, #tpu.memory_space<hbm>>
    tpu.wait_dma2 semaphore(%arg19 : memref<!tpu.dma_semaphore, #tpu.memory_space<semaphore_mem>>) src(%arg11 : memref<128x128xf32, #tpu.memory_space<vmem>>) dst(%dma_wait3A_109 : memref<128x128xf32, #tpu.memory_space<hbm>>)
    %add3A_110 = arith.constant 384 : i32
    %add3A_111 = arith.addi %mul3A_2, %add3A_110 : i32
    %dma_start3A_112 = arith.constant 0 : i32
    %dma_start3A_113 = tpu.memref_slice %arg2[%add3A_111, %dma_start3A_112] : memref<65536x256xf32, #tpu.memory_space<hbm>> -> memref<128x256xf32, #tpu.memory_space<hbm>>
    %dma_start3A_114 = arith.constant 0 : i32
    %dma_start3A_115 = tpu.memref_slice %arg2[%add3A_111, %dma_start3A_114] : memref<65536x256xf32, #tpu.memory_space<hbm>> -> memref<128x256xf32, #tpu.memory_space<hbm>>
    tpu.enqueue_dma source(%dma_start3A_115 : memref<128x256xf32, #tpu.memory_space<hbm>>) target(%arg9 : memref<128x256xf32, #tpu.memory_space<vmem>>) target_semaphore(%arg13 : memref<!tpu.dma_semaphore, #tpu.memory_space<semaphore_mem>>)
    %dma_start3A_116 = arith.constant 3 : i32
    %dma_start3A_117 = arith.constant 0 : i32
    %dma_start3A_118 = tpu.memref_slice %arg6[%dma_start3A_116, %dma_start3A_117] : memref<16x128xi32, #tpu.memory_space<vmem>> -> memref<1x128xi32, #tpu.memory_space<vmem>>
    %dma_start3A_119 = tpu.memref_squeeze %dma_start3A_118 : memref<1x128xi32, #tpu.memory_space<vmem>> -> memref<128xi32, #tpu.memory_space<vmem>>
    %dma_start3A_120 = arith.constant 0 : i32
    %dma_start3A_121 = arith.constant 0 : i32
    %dma_start3A_122 = tpu.memref_slice %arg7[%dma_start3A_120, %dma_start3A_121] : memref<1000x128xf32, #tpu.memory_space<vmem_shared>> -> memref<1000x128xf32, #tpu.memory_space<vmem_shared>>
    tpu.enqueue_indirect_dma source(%dma_start3A_122 : memref<1000x128xf32, #tpu.memory_space<vmem_shared>>) target(%arg11 : memref<128x128xf32, #tpu.memory_space<vmem>>) offsets(%dma_start3A_119 : memref<128xi32, #tpu.memory_space<vmem>>) semaphore(%arg15 : memref<!tpu.dma_semaphore, #tpu.memory_space<semaphore_mem>>)
    %dma_wait3A_123 = arith.constant 2 : i32
    %dma_wait3A_124 = arith.constant 0 : i32
    %dma_wait3A_125 = tpu.memref_slice %arg6[%dma_wait3A_123, %dma_wait3A_124] : memref<16x128xi32, #tpu.memory_space<vmem>> -> memref<1x128xi32, #tpu.memory_space<vmem>>
    %dma_wait3A_126 = tpu.memref_squeeze %dma_wait3A_125 : memref<1x128xi32, #tpu.memory_space<vmem>> -> memref<128xi32, #tpu.memory_space<vmem>>
    %dma_wait3A_127 = arith.constant 0 : i32
    %dma_wait3A_128 = arith.constant 0 : i32
    %dma_wait3A_129 = tpu.memref_slice %arg7[%dma_wait3A_127, %dma_wait3A_128] : memref<1000x128xf32, #tpu.memory_space<vmem_shared>> -> memref<1000x128xf32, #tpu.memory_space<vmem_shared>>
    tpu.wait_indirect_dma semaphore(%arg14 : memref<!tpu.dma_semaphore, #tpu.memory_space<semaphore_mem>>) src(%dma_wait3A_129 : memref<1000x128xf32, #tpu.memory_space<vmem_shared>>) dst(%arg10 : memref<128x128xf32, #tpu.memory_space<vmem>>)
    %add3A_130 = arith.constant 256 : i32
    %add3A_131 = arith.addi %mul3A_2, %add3A_130 : i32
    %dma_start3A_132 = arith.constant 256 : i32
    %dma_start3A_133 = tpu.memref_slice %arg5[%add3A_131, %dma_start3A_132] : memref<65536x384xf32, #tpu.memory_space<hbm>> -> memref<128x128xf32, #tpu.memory_space<hbm>>
    %dma_start3A_134 = arith.constant 256 : i32
    %dma_start3A_135 = tpu.memref_slice %arg5[%add3A_131, %dma_start3A_134] : memref<65536x384xf32, #tpu.memory_space<hbm>> -> memref<128x128xf32, #tpu.memory_space<hbm>>
    tpu.enqueue_dma source(%arg10 : memref<128x128xf32, #tpu.memory_space<vmem>>) target(%dma_start3A_135 : memref<128x128xf32, #tpu.memory_space<hbm>>) target_semaphore(%arg18 : memref<!tpu.dma_semaphore, #tpu.memory_space<semaphore_mem>>)
    %dma_wait3A_136 = arith.constant 0 : i32
    %dma_wait3A_137 = tpu.memref_slice %arg2[%add3A_67, %dma_wait3A_136] : memref<65536x256xf32, #tpu.memory_space<hbm>> -> memref<128x256xf32, #tpu.memory_space<hbm>>
    %dma_wait3A_138 = arith.constant 0 : i32
    %dma_wait3A_139 = tpu.memref_slice %arg2[%add3A_67, %dma_wait3A_138] : memref<65536x256xf32, #tpu.memory_space<hbm>> -> memref<128x256xf32, #tpu.memory_space<hbm>>
    tpu.wait_dma2 semaphore(%arg12 : memref<!tpu.dma_semaphore, #tpu.memory_space<semaphore_mem>>) src(%dma_wait3A_139 : memref<128x256xf32, #tpu.memory_space<hbm>>) dst(%arg8 : memref<128x256xf32, #tpu.memory_space<vmem>>)
    %add3A_140 = arith.constant 256 : i32
    %add3A_141 = arith.addi %mul3A_2, %add3A_140 : i32
    %dma_start3A_142 = arith.constant 0 : i32
    %dma_start3A_143 = tpu.memref_slice %arg5[%add3A_141, %dma_start3A_142] : memref<65536x384xf32, #tpu.memory_space<hbm>> -> memref<128x256xf32, #tpu.memory_space<hbm>>
    %dma_start3A_144 = arith.constant 0 : i32
    %dma_start3A_145 = tpu.memref_slice %arg5[%add3A_141, %dma_start3A_144] : memref<65536x384xf32, #tpu.memory_space<hbm>> -> memref<128x256xf32, #tpu.memory_space<hbm>>
    tpu.enqueue_dma source(%arg8 : memref<128x256xf32, #tpu.memory_space<vmem>>) target(%dma_start3A_145 : memref<128x256xf32, #tpu.memory_space<hbm>>) target_semaphore(%arg16 : memref<!tpu.dma_semaphore, #tpu.memory_space<semaphore_mem>>)
    %dma_wait3A_146 = arith.constant 0 : i32
    %dma_wait3A_147 = tpu.memref_slice %arg5[%add3A_141, %dma_wait3A_146] : memref<65536x384xf32, #tpu.memory_space<hbm>> -> memref<128x256xf32, #tpu.memory_space<hbm>>
    %dma_wait3A_148 = arith.constant 0 : i32
    %dma_wait3A_149 = tpu.memref_slice %arg5[%add3A_141, %dma_wait3A_148] : memref<65536x384xf32, #tpu.memory_space<hbm>> -> memref<128x256xf32, #tpu.memory_space<hbm>>
    tpu.wait_dma2 semaphore(%arg16 : memref<!tpu.dma_semaphore, #tpu.memory_space<semaphore_mem>>) src(%arg8 : memref<128x256xf32, #tpu.memory_space<vmem>>) dst(%dma_wait3A_149 : memref<128x256xf32, #tpu.memory_space<hbm>>)
    %dma_wait3A_150 = arith.constant 256 : i32
    %dma_wait3A_151 = tpu.memref_slice %arg5[%add3A_131, %dma_wait3A_150] : memref<65536x384xf32, #tpu.memory_space<hbm>> -> memref<128x128xf32, #tpu.memory_space<hbm>>
    %dma_wait3A_152 = arith.constant 256 : i32
    %dma_wait3A_153 = tpu.memref_slice %arg5[%add3A_131, %dma_wait3A_152] : memref<65536x384xf32, #tpu.memory_space<hbm>> -> memref<128x128xf32, #tpu.memory_space<hbm>>
    tpu.wait_dma2 semaphore(%arg18 : memref<!tpu.dma_semaphore, #tpu.memory_space<semaphore_mem>>) src(%arg10 : memref<128x128xf32, #tpu.memory_space<vmem>>) dst(%dma_wait3A_153 : memref<128x128xf32, #tpu.memory_space<hbm>>)
    %add3A_154 = arith.constant 512 : i32
    %add3A_155 = arith.addi %mul3A_2, %add3A_154 : i32
    %dma_start3A_156 = arith.constant 0 : i32
    %dma_start3A_157 = tpu.memref_slice %arg2[%add3A_155, %dma_start3A_156] : memref<65536x256xf32, #tpu.memory_space<hbm>> -> memref<128x256xf32, #tpu.memory_space<hbm>>
    %dma_start3A_158 = arith.constant 0 : i32
    %dma_start3A_159 = tpu.memref_slice %arg2[%add3A_155, %dma_start3A_158] : memref<65536x256xf32, #tpu.memory_space<hbm>> -> memref<128x256xf32, #tpu.memory_space<hbm>>
    tpu.enqueue_dma source(%dma_start3A_159 : memref<128x256xf32, #tpu.memory_space<hbm>>) target(%arg8 : memref<128x256xf32, #tpu.memory_space<vmem>>) target_semaphore(%arg12 : memref<!tpu.dma_semaphore, #tpu.memory_space<semaphore_mem>>)
    %dma_start3A_160 = arith.constant 4 : i32
    %dma_start3A_161 = arith.constant 0 : i32
    %dma_start3A_162 = tpu.memref_slice %arg6[%dma_start3A_160, %dma_start3A_161] : memref<16x128xi32, #tpu.memory_space<vmem>> -> memref<1x128xi32, #tpu.memory_space<vmem>>
    %dma_start3A_163 = tpu.memref_squeeze %dma_start3A_162 : memref<1x128xi32, #tpu.memory_space<vmem>> -> memref<128xi32, #tpu.memory_space<vmem>>
    %dma_start3A_164 = arith.constant 0 : i32
    %dma_start3A_165 = arith.constant 0 : i32
    %dma_start3A_166 = tpu.memref_slice %arg7[%dma_start3A_164, %dma_start3A_165] : memref<1000x128xf32, #tpu.memory_space<vmem_shared>> -> memref<1000x128xf32, #tpu.memory_space<vmem_shared>>
    tpu.enqueue_indirect_dma source(%dma_start3A_166 : memref<1000x128xf32, #tpu.memory_space<vmem_shared>>) target(%arg10 : memref<128x128xf32, #tpu.memory_space<vmem>>) offsets(%dma_start3A_163 : memref<128xi32, #tpu.memory_space<vmem>>) semaphore(%arg14 : memref<!tpu.dma_semaphore, #tpu.memory_space<semaphore_mem>>)
    %dma_wait3A_167 = arith.constant 3 : i32
    %dma_wait3A_168 = arith.constant 0 : i32
    %dma_wait3A_169 = tpu.memref_slice %arg6[%dma_wait3A_167, %dma_wait3A_168] : memref<16x128xi32, #tpu.memory_space<vmem>> -> memref<1x128xi32, #tpu.memory_space<vmem>>
    %dma_wait3A_170 = tpu.memref_squeeze %dma_wait3A_169 : memref<1x128xi32, #tpu.memory_space<vmem>> -> memref<128xi32, #tpu.memory_space<vmem>>
    %dma_wait3A_171 = arith.constant 0 : i32
    %dma_wait3A_172 = arith.constant 0 : i32
    %dma_wait3A_173 = tpu.memref_slice %arg7[%dma_wait3A_171, %dma_wait3A_172] : memref<1000x128xf32, #tpu.memory_space<vmem_shared>> -> memref<1000x128xf32, #tpu.memory_space<vmem_shared>>
    tpu.wait_indirect_dma semaphore(%arg15 : memref<!tpu.dma_semaphore, #tpu.memory_space<semaphore_mem>>) src(%dma_wait3A_173 : memref<1000x128xf32, #tpu.memory_space<vmem_shared>>) dst(%arg11 : memref<128x128xf32, #tpu.memory_space<vmem>>)
    %add3A_174 = arith.constant 384 : i32
    %add3A_175 = arith.addi %mul3A_2, %add3A_174 : i32
    %dma_start3A_176 = arith.constant 256 : i32
    %dma_start3A_177 = tpu.memref_slice %arg5[%add3A_175, %dma_start3A_176] : memref<65536x384xf32, #tpu.memory_space<hbm>> -> memref<128x128xf32, #tpu.memory_space<hbm>>
    %dma_start3A_178 = arith.constant 256 : i32
    %dma_start3A_179 = tpu.memref_slice %arg5[%add3A_175, %dma_start3A_178] : memref<65536x384xf32, #tpu.memory_space<hbm>> -> memref<128x128xf32, #tpu.memory_space<hbm>>
    tpu.enqueue_dma source(%arg11 : memref<128x128xf32, #tpu.memory_space<vmem>>) target(%dma_start3A_179 : memref<128x128xf32, #tpu.memory_space<hbm>>) target_semaphore(%arg19 : memref<!tpu.dma_semaphore, #tpu.memory_space<semaphore_mem>>)
    %dma_wait3A_180 = arith.constant 0 : i32
    %dma_wait3A_181 = tpu.memref_slice %arg2[%add3A_111, %dma_wait3A_180] : memref<65536x256xf32, #tpu.memory_space<hbm>> -> memref<128x256xf32, #tpu.memory_space<hbm>>
    %dma_wait3A_182 = arith.constant 0 : i32
    %dma_wait3A_183 = tpu.memref_slice %arg2[%add3A_111, %dma_wait3A_182] : memref<65536x256xf32, #tpu.memory_space<hbm>> -> memref<128x256xf32, #tpu.memory_space<hbm>>
    tpu.wait_dma2 semaphore(%arg13 : memref<!tpu.dma_semaphore, #tpu.memory_space<semaphore_mem>>) src(%dma_wait3A_183 : memref<128x256xf32, #tpu.memory_space<hbm>>) dst(%arg9 : memref<128x256xf32, #tpu.memory_space<vmem>>)
    %add3A_184 = arith.constant 384 : i32
    %add3A_185 = arith.addi %mul3A_2, %add3A_184 : i32
    %dma_start3A_186 = arith.constant 0 : i32
    %dma_start3A_187 = tpu.memref_slice %arg5[%add3A_185, %dma_start3A_186] : memref<65536x384xf32, #tpu.memory_space<hbm>> -> memref<128x256xf32, #tpu.memory_space<hbm>>
    %dma_start3A_188 = arith.constant 0 : i32
    %dma_start3A_189 = tpu.memref_slice %arg5[%add3A_185, %dma_start3A_188] : memref<65536x384xf32, #tpu.memory_space<hbm>> -> memref<128x256xf32, #tpu.memory_space<hbm>>
    tpu.enqueue_dma source(%arg9 : memref<128x256xf32, #tpu.memory_space<vmem>>) target(%dma_start3A_189 : memref<128x256xf32, #tpu.memory_space<hbm>>) target_semaphore(%arg17 : memref<!tpu.dma_semaphore, #tpu.memory_space<semaphore_mem>>)
    %dma_wait3A_190 = arith.constant 0 : i32
    %dma_wait3A_191 = tpu.memref_slice %arg5[%add3A_185, %dma_wait3A_190] : memref<65536x384xf32, #tpu.memory_space<hbm>> -> memref<128x256xf32, #tpu.memory_space<hbm>>
    %dma_wait3A_192 = arith.constant 0 : i32
    %dma_wait3A_193 = tpu.memref_slice %arg5[%add3A_185, %dma_wait3A_192] : memref<65536x384xf32, #tpu.memory_space<hbm>> -> memref<128x256xf32, #tpu.memory_space<hbm>>
    tpu.wait_dma2 semaphore(%arg17 : memref<!tpu.dma_semaphore, #tpu.memory_space<semaphore_mem>>) src(%arg9 : memref<128x256xf32, #tpu.memory_space<vmem>>) dst(%dma_wait3A_193 : memref<128x256xf32, #tpu.memory_space<hbm>>)
    %dma_wait3A_194 = arith.constant 256 : i32
    %dma_wait3A_195 = tpu.memref_slice %arg5[%add3A_175, %dma_wait3A_194] : memref<65536x384xf32, #tpu.memory_space<hbm>> -> memref<128x128xf32, #tpu.memory_space<hbm>>
    %dma_wait3A_196 = arith.constant 256 : i32
    %dma_wait3A_197 = tpu.memref_slice %arg5[%add3A_175, %dma_wait3A_196] : memref<65536x384xf32, #tpu.memory_space<hbm>> -> memref<128x128xf32, #tpu.memory_space<hbm>>
    tpu.wait_dma2 semaphore(%arg19 : memref<!tpu.dma_semaphore, #tpu.memory_space<semaphore_mem>>) src(%arg11 : memref<128x128xf32, #tpu.memory_space<vmem>>) dst(%dma_wait3A_197 : memref<128x128xf32, #tpu.memory_space<hbm>>)
    %add3A_198 = arith.constant 640 : i32
    %add3A_199 = arith.addi %mul3A_2, %add3A_198 : i32
    %dma_start3A_200 = arith.constant 0 : i32
    %dma_start3A_201 = tpu.memref_slice %arg2[%add3A_199, %dma_start3A_200] : memref<65536x256xf32, #tpu.memory_space<hbm>> -> memref<128x256xf32, #tpu.memory_space<hbm>>
    %dma_start3A_202 = arith.constant 0 : i32
    %dma_start3A_203 = tpu.memref_slice %arg2[%add3A_199, %dma_start3A_202] : memref<65536x256xf32, #tpu.memory_space<hbm>> -> memref<128x256xf32, #tpu.memory_space<hbm>>
    tpu.enqueue_dma source(%dma_start3A_203 : memref<128x256xf32, #tpu.memory_space<hbm>>) target(%arg9 : memref<128x256xf32, #tpu.memory_space<vmem>>) target_semaphore(%arg13 : memref<!tpu.dma_semaphore, #tpu.memory_space<semaphore_mem>>)
    %dma_start3A_204 = arith.constant 5 : i32
    %dma_start3A_205 = arith.constant 0 : i32
    %dma_start3A_206 = tpu.memref_slice %arg6[%dma_start3A_204, %dma_start3A_205] : memref<16x128xi32, #tpu.memory_space<vmem>> -> memref<1x128xi32, #tpu.memory_space<vmem>>
    %dma_start3A_207 = tpu.memref_squeeze %dma_start3A_206 : memref<1x128xi32, #tpu.memory_space<vmem>> -> memref<128xi32, #tpu.memory_space<vmem>>
    %dma_start3A_208 = arith.constant 0 : i32
    %dma_start3A_209 = arith.constant 0 : i32
    %dma_start3A_210 = tpu.memref_slice %arg7[%dma_start3A_208, %dma_start3A_209] : memref<1000x128xf32, #tpu.memory_space<vmem_shared>> -> memref<1000x128xf32, #tpu.memory_space<vmem_shared>>
    tpu.enqueue_indirect_dma source(%dma_start3A_210 : memref<1000x128xf32, #tpu.memory_space<vmem_shared>>) target(%arg11 : memref<128x128xf32, #tpu.memory_space<vmem>>) offsets(%dma_start3A_207 : memref<128xi32, #tpu.memory_space<vmem>>) semaphore(%arg15 : memref<!tpu.dma_semaphore, #tpu.memory_space<semaphore_mem>>)
    %dma_wait3A_211 = arith.constant 4 : i32
    %dma_wait3A_212 = arith.constant 0 : i32
    %dma_wait3A_213 = tpu.memref_slice %arg6[%dma_wait3A_211, %dma_wait3A_212] : memref<16x128xi32, #tpu.memory_space<vmem>> -> memref<1x128xi32, #tpu.memory_space<vmem>>
    %dma_wait3A_214 = tpu.memref_squeeze %dma_wait3A_213 : memref<1x128xi32, #tpu.memory_space<vmem>> -> memref<128xi32, #tpu.memory_space<vmem>>
    %dma_wait3A_215 = arith.constant 0 : i32
    %dma_wait3A_216 = arith.constant 0 : i32
    %dma_wait3A_217 = tpu.memref_slice %arg7[%dma_wait3A_215, %dma_wait3A_216] : memref<1000x128xf32, #tpu.memory_space<vmem_shared>> -> memref<1000x128xf32, #tpu.memory_space<vmem_shared>>
    tpu.wait_indirect_dma semaphore(%arg14 : memref<!tpu.dma_semaphore, #tpu.memory_space<semaphore_mem>>) src(%dma_wait3A_217 : memref<1000x128xf32, #tpu.memory_space<vmem_shared>>) dst(%arg10 : memref<128x128xf32, #tpu.memory_space<vmem>>)
    %add3A_218 = arith.constant 512 : i32
    %add3A_219 = arith.addi %mul3A_2, %add3A_218 : i32
    %dma_start3A_220 = arith.constant 256 : i32
    %dma_start3A_221 = tpu.memref_slice %arg5[%add3A_219, %dma_start3A_220] : memref<65536x384xf32, #tpu.memory_space<hbm>> -> memref<128x128xf32, #tpu.memory_space<hbm>>
    %dma_start3A_222 = arith.constant 256 : i32
    %dma_start3A_223 = tpu.memref_slice %arg5[%add3A_219, %dma_start3A_222] : memref<65536x384xf32, #tpu.memory_space<hbm>> -> memref<128x128xf32, #tpu.memory_space<hbm>>
    tpu.enqueue_dma source(%arg10 : memref<128x128xf32, #tpu.memory_space<vmem>>) target(%dma_start3A_223 : memref<128x128xf32, #tpu.memory_space<hbm>>) target_semaphore(%arg18 : memref<!tpu.dma_semaphore, #tpu.memory_space<semaphore_mem>>)
    %dma_wait3A_224 = arith.constant 0 : i32
    %dma_wait3A_225 = tpu.memref_slice %arg2[%add3A_155, %dma_wait3A_224] : memref<65536x256xf32, #tpu.memory_space<hbm>> -> memref<128x256xf32, #tpu.memory_space<hbm>>
    %dma_wait3A_226 = arith.constant 0 : i32
    %dma_wait3A_227 = tpu.memref_slice %arg2[%add3A_155, %dma_wait3A_226] : memref<65536x256xf32, #tpu.memory_space<hbm>> -> memref<128x256xf32, #tpu.memory_space<hbm>>
    tpu.wait_dma2 semaphore(%arg12 : memref<!tpu.dma_semaphore, #tpu.memory_space<semaphore_mem>>) src(%dma_wait3A_227 : memref<128x256xf32, #tpu.memory_space<hbm>>) dst(%arg8 : memref<128x256xf32, #tpu.memory_space<vmem>>)
    %add3A_228 = arith.constant 512 : i32
    %add3A_229 = arith.addi %mul3A_2, %add3A_228 : i32
    %dma_start3A_230 = arith.constant 0 : i32
    %dma_start3A_231 = tpu.memref_slice %arg5[%add3A_229, %dma_start3A_230] : memref<65536x384xf32, #tpu.memory_space<hbm>> -> memref<128x256xf32, #tpu.memory_space<hbm>>
    %dma_start3A_232 = arith.constant 0 : i32
    %dma_start3A_233 = tpu.memref_slice %arg5[%add3A_229, %dma_start3A_232] : memref<65536x384xf32, #tpu.memory_space<hbm>> -> memref<128x256xf32, #tpu.memory_space<hbm>>
    tpu.enqueue_dma source(%arg8 : memref<128x256xf32, #tpu.memory_space<vmem>>) target(%dma_start3A_233 : memref<128x256xf32, #tpu.memory_space<hbm>>) target_semaphore(%arg16 : memref<!tpu.dma_semaphore, #tpu.memory_space<semaphore_mem>>)
    %dma_wait3A_234 = arith.constant 0 : i32
    %dma_wait3A_235 = tpu.memref_slice %arg5[%add3A_229, %dma_wait3A_234] : memref<65536x384xf32, #tpu.memory_space<hbm>> -> memref<128x256xf32, #tpu.memory_space<hbm>>
    %dma_wait3A_236 = arith.constant 0 : i32
    %dma_wait3A_237 = tpu.memref_slice %arg5[%add3A_229, %dma_wait3A_236] : memref<65536x384xf32, #tpu.memory_space<hbm>> -> memref<128x256xf32, #tpu.memory_space<hbm>>
    tpu.wait_dma2 semaphore(%arg16 : memref<!tpu.dma_semaphore, #tpu.memory_space<semaphore_mem>>) src(%arg8 : memref<128x256xf32, #tpu.memory_space<vmem>>) dst(%dma_wait3A_237 : memref<128x256xf32, #tpu.memory_space<hbm>>)
    %dma_wait3A_238 = arith.constant 256 : i32
    %dma_wait3A_239 = tpu.memref_slice %arg5[%add3A_219, %dma_wait3A_238] : memref<65536x384xf32, #tpu.memory_space<hbm>> -> memref<128x128xf32, #tpu.memory_space<hbm>>
    %dma_wait3A_240 = arith.constant 256 : i32
    %dma_wait3A_241 = tpu.memref_slice %arg5[%add3A_219, %dma_wait3A_240] : memref<65536x384xf32, #tpu.memory_space<hbm>> -> memref<128x128xf32, #tpu.memory_space<hbm>>
    tpu.wait_dma2 semaphore(%arg18 : memref<!tpu.dma_semaphore, #tpu.memory_space<semaphore_mem>>) src(%arg10 : memref<128x128xf32, #tpu.memory_space<vmem>>) dst(%dma_wait3A_241 : memref<128x128xf32, #tpu.memory_space<hbm>>)
    %add3A_242 = arith.constant 768 : i32
    %add3A_243 = arith.addi %mul3A_2, %add3A_242 : i32
    %dma_start3A_244 = arith.constant 0 : i32
    %dma_start3A_245 = tpu.memref_slice %arg2[%add3A_243, %dma_start3A_244] : memref<65536x256xf32, #tpu.memory_space<hbm>> -> memref<128x256xf32, #tpu.memory_space<hbm>>
    %dma_start3A_246 = arith.constant 0 : i32
    %dma_start3A_247 = tpu.memref_slice %arg2[%add3A_243, %dma_start3A_246] : memref<65536x256xf32, #tpu.memory_space<hbm>> -> memref<128x256xf32, #tpu.memory_space<hbm>>
    tpu.enqueue_dma source(%dma_start3A_247 : memref<128x256xf32, #tpu.memory_space<hbm>>) target(%arg8 : memref<128x256xf32, #tpu.memory_space<vmem>>) target_semaphore(%arg12 : memref<!tpu.dma_semaphore, #tpu.memory_space<semaphore_mem>>)
    %dma_start3A_248 = arith.constant 6 : i32
    %dma_start3A_249 = arith.constant 0 : i32
    %dma_start3A_250 = tpu.memref_slice %arg6[%dma_start3A_248, %dma_start3A_249] : memref<16x128xi32, #tpu.memory_space<vmem>> -> memref<1x128xi32, #tpu.memory_space<vmem>>
    %dma_start3A_251 = tpu.memref_squeeze %dma_start3A_250 : memref<1x128xi32, #tpu.memory_space<vmem>> -> memref<128xi32, #tpu.memory_space<vmem>>
    %dma_start3A_252 = arith.constant 0 : i32
    %dma_start3A_253 = arith.constant 0 : i32
    %dma_start3A_254 = tpu.memref_slice %arg7[%dma_start3A_252, %dma_start3A_253] : memref<1000x128xf32, #tpu.memory_space<vmem_shared>> -> memref<1000x128xf32, #tpu.memory_space<vmem_shared>>
    tpu.enqueue_indirect_dma source(%dma_start3A_254 : memref<1000x128xf32, #tpu.memory_space<vmem_shared>>) target(%arg10 : memref<128x128xf32, #tpu.memory_space<vmem>>) offsets(%dma_start3A_251 : memref<128xi32, #tpu.memory_space<vmem>>) semaphore(%arg14 : memref<!tpu.dma_semaphore, #tpu.memory_space<semaphore_mem>>)
    %dma_wait3A_255 = arith.constant 5 : i32
    %dma_wait3A_256 = arith.constant 0 : i32
    %dma_wait3A_257 = tpu.memref_slice %arg6[%dma_wait3A_255, %dma_wait3A_256] : memref<16x128xi32, #tpu.memory_space<vmem>> -> memref<1x128xi32, #tpu.memory_space<vmem>>
    %dma_wait3A_258 = tpu.memref_squeeze %dma_wait3A_257 : memref<1x128xi32, #tpu.memory_space<vmem>> -> memref<128xi32, #tpu.memory_space<vmem>>
    %dma_wait3A_259 = arith.constant 0 : i32
    %dma_wait3A_260 = arith.constant 0 : i32
    %dma_wait3A_261 = tpu.memref_slice %arg7[%dma_wait3A_259, %dma_wait3A_260] : memref<1000x128xf32, #tpu.memory_space<vmem_shared>> -> memref<1000x128xf32, #tpu.memory_space<vmem_shared>>
    tpu.wait_indirect_dma semaphore(%arg15 : memref<!tpu.dma_semaphore, #tpu.memory_space<semaphore_mem>>) src(%dma_wait3A_261 : memref<1000x128xf32, #tpu.memory_space<vmem_shared>>) dst(%arg11 : memref<128x128xf32, #tpu.memory_space<vmem>>)
    %add3A_262 = arith.constant 640 : i32
    %add3A_263 = arith.addi %mul3A_2, %add3A_262 : i32
    %dma_start3A_264 = arith.constant 256 : i32
    %dma_start3A_265 = tpu.memref_slice %arg5[%add3A_263, %dma_start3A_264] : memref<65536x384xf32, #tpu.memory_space<hbm>> -> memref<128x128xf32, #tpu.memory_space<hbm>>
    %dma_start3A_266 = arith.constant 256 : i32
    %dma_start3A_267 = tpu.memref_slice %arg5[%add3A_263, %dma_start3A_266] : memref<65536x384xf32, #tpu.memory_space<hbm>> -> memref<128x128xf32, #tpu.memory_space<hbm>>
    tpu.enqueue_dma source(%arg11 : memref<128x128xf32, #tpu.memory_space<vmem>>) target(%dma_start3A_267 : memref<128x128xf32, #tpu.memory_space<hbm>>) target_semaphore(%arg19 : memref<!tpu.dma_semaphore, #tpu.memory_space<semaphore_mem>>)
    %dma_wait3A_268 = arith.constant 0 : i32
    %dma_wait3A_269 = tpu.memref_slice %arg2[%add3A_199, %dma_wait3A_268] : memref<65536x256xf32, #tpu.memory_space<hbm>> -> memref<128x256xf32, #tpu.memory_space<hbm>>
    %dma_wait3A_270 = arith.constant 0 : i32
    %dma_wait3A_271 = tpu.memref_slice %arg2[%add3A_199, %dma_wait3A_270] : memref<65536x256xf32, #tpu.memory_space<hbm>> -> memref<128x256xf32, #tpu.memory_space<hbm>>
    tpu.wait_dma2 semaphore(%arg13 : memref<!tpu.dma_semaphore, #tpu.memory_space<semaphore_mem>>) src(%dma_wait3A_271 : memref<128x256xf32, #tpu.memory_space<hbm>>) dst(%arg9 : memref<128x256xf32, #tpu.memory_space<vmem>>)
    %add3A_272 = arith.constant 640 : i32
    %add3A_273 = arith.addi %mul3A_2, %add3A_272 : i32
    %dma_start3A_274 = arith.constant 0 : i32
    %dma_start3A_275 = tpu.memref_slice %arg5[%add3A_273, %dma_start3A_274] : memref<65536x384xf32, #tpu.memory_space<hbm>> -> memref<128x256xf32, #tpu.memory_space<hbm>>
    %dma_start3A_276 = arith.constant 0 : i32
    %dma_start3A_277 = tpu.memref_slice %arg5[%add3A_273, %dma_start3A_276] : memref<65536x384xf32, #tpu.memory_space<hbm>> -> memref<128x256xf32, #tpu.memory_space<hbm>>
    tpu.enqueue_dma source(%arg9 : memref<128x256xf32, #tpu.memory_space<vmem>>) target(%dma_start3A_277 : memref<128x256xf32, #tpu.memory_space<hbm>>) target_semaphore(%arg17 : memref<!tpu.dma_semaphore, #tpu.memory_space<semaphore_mem>>)
    %dma_wait3A_278 = arith.constant 0 : i32
    %dma_wait3A_279 = tpu.memref_slice %arg5[%add3A_273, %dma_wait3A_278] : memref<65536x384xf32, #tpu.memory_space<hbm>> -> memref<128x256xf32, #tpu.memory_space<hbm>>
    %dma_wait3A_280 = arith.constant 0 : i32
    %dma_wait3A_281 = tpu.memref_slice %arg5[%add3A_273, %dma_wait3A_280] : memref<65536x384xf32, #tpu.memory_space<hbm>> -> memref<128x256xf32, #tpu.memory_space<hbm>>
    tpu.wait_dma2 semaphore(%arg17 : memref<!tpu.dma_semaphore, #tpu.memory_space<semaphore_mem>>) src(%arg9 : memref<128x256xf32, #tpu.memory_space<vmem>>) dst(%dma_wait3A_281 : memref<128x256xf32, #tpu.memory_space<hbm>>)
    %dma_wait3A_282 = arith.constant 256 : i32
    %dma_wait3A_283 = tpu.memref_slice %arg5[%add3A_263, %dma_wait3A_282] : memref<65536x384xf32, #tpu.memory_space<hbm>> -> memref<128x128xf32, #tpu.memory_space<hbm>>
    %dma_wait3A_284 = arith.constant 256 : i32
    %dma_wait3A_285 = tpu.memref_slice %arg5[%add3A_263, %dma_wait3A_284] : memref<65536x384xf32, #tpu.memory_space<hbm>> -> memref<128x128xf32, #tpu.memory_space<hbm>>
    tpu.wait_dma2 semaphore(%arg19 : memref<!tpu.dma_semaphore, #tpu.memory_space<semaphore_mem>>) src(%arg11 : memref<128x128xf32, #tpu.memory_space<vmem>>) dst(%dma_wait3A_285 : memref<128x128xf32, #tpu.memory_space<hbm>>)
    %add3A_286 = arith.constant 896 : i32
    %add3A_287 = arith.addi %mul3A_2, %add3A_286 : i32
    %dma_start3A_288 = arith.constant 0 : i32
    %dma_start3A_289 = tpu.memref_slice %arg2[%add3A_287, %dma_start3A_288] : memref<65536x256xf32, #tpu.memory_space<hbm>> -> memref<128x256xf32, #tpu.memory_space<hbm>>
    %dma_start3A_290 = arith.constant 0 : i32
    %dma_start3A_291 = tpu.memref_slice %arg2[%add3A_287, %dma_start3A_290] : memref<65536x256xf32, #tpu.memory_space<hbm>> -> memref<128x256xf32, #tpu.memory_space<hbm>>
    tpu.enqueue_dma source(%dma_start3A_291 : memref<128x256xf32, #tpu.memory_space<hbm>>) target(%arg9 : memref<128x256xf32, #tpu.memory_space<vmem>>) target_semaphore(%arg13 : memref<!tpu.dma_semaphore, #tpu.memory_space<semaphore_mem>>)
    %dma_start3A_292 = arith.constant 7 : i32
    %dma_start3A_293 = arith.constant 0 : i32
    %dma_start3A_294 = tpu.memref_slice %arg6[%dma_start3A_292, %dma_start3A_293] : memref<16x128xi32, #tpu.memory_space<vmem>> -> memref<1x128xi32, #tpu.memory_space<vmem>>
    %dma_start3A_295 = tpu.memref_squeeze %dma_start3A_294 : memref<1x128xi32, #tpu.memory_space<vmem>> -> memref<128xi32, #tpu.memory_space<vmem>>
    %dma_start3A_296 = arith.constant 0 : i32
    %dma_start3A_297 = arith.constant 0 : i32
    %dma_start3A_298 = tpu.memref_slice %arg7[%dma_start3A_296, %dma_start3A_297] : memref<1000x128xf32, #tpu.memory_space<vmem_shared>> -> memref<1000x128xf32, #tpu.memory_space<vmem_shared>>
    tpu.enqueue_indirect_dma source(%dma_start3A_298 : memref<1000x128xf32, #tpu.memory_space<vmem_shared>>) target(%arg11 : memref<128x128xf32, #tpu.memory_space<vmem>>) offsets(%dma_start3A_295 : memref<128xi32, #tpu.memory_space<vmem>>) semaphore(%arg15 : memref<!tpu.dma_semaphore, #tpu.memory_space<semaphore_mem>>)
    %dma_wait3A_299 = arith.constant 6 : i32
    %dma_wait3A_300 = arith.constant 0 : i32
    %dma_wait3A_301 = tpu.memref_slice %arg6[%dma_wait3A_299, %dma_wait3A_300] : memref<16x128xi32, #tpu.memory_space<vmem>> -> memref<1x128xi32, #tpu.memory_space<vmem>>
    %dma_wait3A_302 = tpu.memref_squeeze %dma_wait3A_301 : memref<1x128xi32, #tpu.memory_space<vmem>> -> memref<128xi32, #tpu.memory_space<vmem>>
    %dma_wait3A_303 = arith.constant 0 : i32
    %dma_wait3A_304 = arith.constant 0 : i32
    %dma_wait3A_305 = tpu.memref_slice %arg7[%dma_wait3A_303, %dma_wait3A_304] : memref<1000x128xf32, #tpu.memory_space<vmem_shared>> -> memref<1000x128xf32, #tpu.memory_space<vmem_shared>>
    tpu.wait_indirect_dma semaphore(%arg14 : memref<!tpu.dma_semaphore, #tpu.memory_space<semaphore_mem>>) src(%dma_wait3A_305 : memref<1000x128xf32, #tpu.memory_space<vmem_shared>>) dst(%arg10 : memref<128x128xf32, #tpu.memory_space<vmem>>)
    %add3A_306 = arith.constant 768 : i32
    %add3A_307 = arith.addi %mul3A_2, %add3A_306 : i32
    %dma_start3A_308 = arith.constant 256 : i32
    %dma_start3A_309 = tpu.memref_slice %arg5[%add3A_307, %dma_start3A_308] : memref<65536x384xf32, #tpu.memory_space<hbm>> -> memref<128x128xf32, #tpu.memory_space<hbm>>
    %dma_start3A_310 = arith.constant 256 : i32
    %dma_start3A_311 = tpu.memref_slice %arg5[%add3A_307, %dma_start3A_310] : memref<65536x384xf32, #tpu.memory_space<hbm>> -> memref<128x128xf32, #tpu.memory_space<hbm>>
    tpu.enqueue_dma source(%arg10 : memref<128x128xf32, #tpu.memory_space<vmem>>) target(%dma_start3A_311 : memref<128x128xf32, #tpu.memory_space<hbm>>) target_semaphore(%arg18 : memref<!tpu.dma_semaphore, #tpu.memory_space<semaphore_mem>>)
    %dma_wait3A_312 = arith.constant 0 : i32
    %dma_wait3A_313 = tpu.memref_slice %arg2[%add3A_243, %dma_wait3A_312] : memref<65536x256xf32, #tpu.memory_space<hbm>> -> memref<128x256xf32, #tpu.memory_space<hbm>>
    %dma_wait3A_314 = arith.constant 0 : i32
    %dma_wait3A_315 = tpu.memref_slice %arg2[%add3A_243, %dma_wait3A_314] : memref<65536x256xf32, #tpu.memory_space<hbm>> -> memref<128x256xf32, #tpu.memory_space<hbm>>
    tpu.wait_dma2 semaphore(%arg12 : memref<!tpu.dma_semaphore, #tpu.memory_space<semaphore_mem>>) src(%dma_wait3A_315 : memref<128x256xf32, #tpu.memory_space<hbm>>) dst(%arg8 : memref<128x256xf32, #tpu.memory_space<vmem>>)
    %add3A_316 = arith.constant 768 : i32
    %add3A_317 = arith.addi %mul3A_2, %add3A_316 : i32
    %dma_start3A_318 = arith.constant 0 : i32
    %dma_start3A_319 = tpu.memref_slice %arg5[%add3A_317, %dma_start3A_318] : memref<65536x384xf32, #tpu.memory_space<hbm>> -> memref<128x256xf32, #tpu.memory_space<hbm>>
    %dma_start3A_320 = arith.constant 0 : i32
    %dma_start3A_321 = tpu.memref_slice %arg5[%add3A_317, %dma_start3A_320] : memref<65536x384xf32, #tpu.memory_space<hbm>> -> memref<128x256xf32, #tpu.memory_space<hbm>>
    tpu.enqueue_dma source(%arg8 : memref<128x256xf32, #tpu.memory_space<vmem>>) target(%dma_start3A_321 : memref<128x256xf32, #tpu.memory_space<hbm>>) target_semaphore(%arg16 : memref<!tpu.dma_semaphore, #tpu.memory_space<semaphore_mem>>)
    %dma_wait3A_322 = arith.constant 0 : i32
    %dma_wait3A_323 = tpu.memref_slice %arg5[%add3A_317, %dma_wait3A_322] : memref<65536x384xf32, #tpu.memory_space<hbm>> -> memref<128x256xf32, #tpu.memory_space<hbm>>
    %dma_wait3A_324 = arith.constant 0 : i32
    %dma_wait3A_325 = tpu.memref_slice %arg5[%add3A_317, %dma_wait3A_324] : memref<65536x384xf32, #tpu.memory_space<hbm>> -> memref<128x256xf32, #tpu.memory_space<hbm>>
    tpu.wait_dma2 semaphore(%arg16 : memref<!tpu.dma_semaphore, #tpu.memory_space<semaphore_mem>>) src(%arg8 : memref<128x256xf32, #tpu.memory_space<vmem>>) dst(%dma_wait3A_325 : memref<128x256xf32, #tpu.memory_space<hbm>>)
    %dma_wait3A_326 = arith.constant 256 : i32
    %dma_wait3A_327 = tpu.memref_slice %arg5[%add3A_307, %dma_wait3A_326] : memref<65536x384xf32, #tpu.memory_space<hbm>> -> memref<128x128xf32, #tpu.memory_space<hbm>>
    %dma_wait3A_328 = arith.constant 256 : i32
    %dma_wait3A_329 = tpu.memref_slice %arg5[%add3A_307, %dma_wait3A_328] : memref<65536x384xf32, #tpu.memory_space<hbm>> -> memref<128x128xf32, #tpu.memory_space<hbm>>
    tpu.wait_dma2 semaphore(%arg18 : memref<!tpu.dma_semaphore, #tpu.memory_space<semaphore_mem>>) src(%arg10 : memref<128x128xf32, #tpu.memory_space<vmem>>) dst(%dma_wait3A_329 : memref<128x128xf32, #tpu.memory_space<hbm>>)
    %add3A_330 = arith.constant 1024 : i32
    %add3A_331 = arith.addi %mul3A_2, %add3A_330 : i32
    %dma_start3A_332 = arith.constant 0 : i32
    %dma_start3A_333 = tpu.memref_slice %arg2[%add3A_331, %dma_start3A_332] : memref<65536x256xf32, #tpu.memory_space<hbm>> -> memref<128x256xf32, #tpu.memory_space<hbm>>
    %dma_start3A_334 = arith.constant 0 : i32
    %dma_start3A_335 = tpu.memref_slice %arg2[%add3A_331, %dma_start3A_334] : memref<65536x256xf32, #tpu.memory_space<hbm>> -> memref<128x256xf32, #tpu.memory_space<hbm>>
    tpu.enqueue_dma source(%dma_start3A_335 : memref<128x256xf32, #tpu.memory_space<hbm>>) target(%arg8 : memref<128x256xf32, #tpu.memory_space<vmem>>) target_semaphore(%arg12 : memref<!tpu.dma_semaphore, #tpu.memory_space<semaphore_mem>>)
    %dma_start3A_336 = arith.constant 8 : i32
    %dma_start3A_337 = arith.constant 0 : i32
    %dma_start3A_338 = tpu.memref_slice %arg6[%dma_start3A_336, %dma_start3A_337] : memref<16x128xi32, #tpu.memory_space<vmem>> -> memref<1x128xi32, #tpu.memory_space<vmem>>
    %dma_start3A_339 = tpu.memref_squeeze %dma_start3A_338 : memref<1x128xi32, #tpu.memory_space<vmem>> -> memref<128xi32, #tpu.memory_space<vmem>>
    %dma_start3A_340 = arith.constant 0 : i32
    %dma_start3A_341 = arith.constant 0 : i32
    %dma_start3A_342 = tpu.memref_slice %arg7[%dma_start3A_340, %dma_start3A_341] : memref<1000x128xf32, #tpu.memory_space<vmem_shared>> -> memref<1000x128xf32, #tpu.memory_space<vmem_shared>>
    tpu.enqueue_indirect_dma source(%dma_start3A_342 : memref<1000x128xf32, #tpu.memory_space<vmem_shared>>) target(%arg10 : memref<128x128xf32, #tpu.memory_space<vmem>>) offsets(%dma_start3A_339 : memref<128xi32, #tpu.memory_space<vmem>>) semaphore(%arg14 : memref<!tpu.dma_semaphore, #tpu.memory_space<semaphore_mem>>)
    %dma_wait3A_343 = arith.constant 7 : i32
    %dma_wait3A_344 = arith.constant 0 : i32
    %dma_wait3A_345 = tpu.memref_slice %arg6[%dma_wait3A_343, %dma_wait3A_344] : memref<16x128xi32, #tpu.memory_space<vmem>> -> memref<1x128xi32, #tpu.memory_space<vmem>>
    %dma_wait3A_346 = tpu.memref_squeeze %dma_wait3A_345 : memref<1x128xi32, #tpu.memory_space<vmem>> -> memref<128xi32, #tpu.memory_space<vmem>>
    %dma_wait3A_347 = arith.constant 0 : i32
    %dma_wait3A_348 = arith.constant 0 : i32
    %dma_wait3A_349 = tpu.memref_slice %arg7[%dma_wait3A_347, %dma_wait3A_348] : memref<1000x128xf32, #tpu.memory_space<vmem_shared>> -> memref<1000x128xf32, #tpu.memory_space<vmem_shared>>
    tpu.wait_indirect_dma semaphore(%arg15 : memref<!tpu.dma_semaphore, #tpu.memory_space<semaphore_mem>>) src(%dma_wait3A_349 : memref<1000x128xf32, #tpu.memory_space<vmem_shared>>) dst(%arg11 : memref<128x128xf32, #tpu.memory_space<vmem>>)
    %add3A_350 = arith.constant 896 : i32
    %add3A_351 = arith.addi %mul3A_2, %add3A_350 : i32
    %dma_start3A_352 = arith.constant 256 : i32
    %dma_start3A_353 = tpu.memref_slice %arg5[%add3A_351, %dma_start3A_352] : memref<65536x384xf32, #tpu.memory_space<hbm>> -> memref<128x128xf32, #tpu.memory_space<hbm>>
    %dma_start3A_354 = arith.constant 256 : i32
    %dma_start3A_355 = tpu.memref_slice %arg5[%add3A_351, %dma_start3A_354] : memref<65536x384xf32, #tpu.memory_space<hbm>> -> memref<128x128xf32, #tpu.memory_space<hbm>>
    tpu.enqueue_dma source(%arg11 : memref<128x128xf32, #tpu.memory_space<vmem>>) target(%dma_start3A_355 : memref<128x128xf32, #tpu.memory_space<hbm>>) target_semaphore(%arg19 : memref<!tpu.dma_semaphore, #tpu.memory_space<semaphore_mem>>)
    %dma_wait3A_356 = arith.constant 0 : i32
    %dma_wait3A_357 = tpu.memref_slice %arg2[%add3A_287, %dma_wait3A_356] : memref<65536x256xf32, #tpu.memory_space<hbm>> -> memref<128x256xf32, #tpu.memory_space<hbm>>
    %dma_wait3A_358 = arith.constant 0 : i32
    %dma_wait3A_359 = tpu.memref_slice %arg2[%add3A_287, %dma_wait3A_358] : memref<65536x256xf32, #tpu.memory_space<hbm>> -> memref<128x256xf32, #tpu.memory_space<hbm>>
    tpu.wait_dma2 semaphore(%arg13 : memref<!tpu.dma_semaphore, #tpu.memory_space<semaphore_mem>>) src(%dma_wait3A_359 : memref<128x256xf32, #tpu.memory_space<hbm>>) dst(%arg9 : memref<128x256xf32, #tpu.memory_space<vmem>>)
    %add3A_360 = arith.constant 896 : i32
    %add3A_361 = arith.addi %mul3A_2, %add3A_360 : i32
    %dma_start3A_362 = arith.constant 0 : i32
    %dma_start3A_363 = tpu.memref_slice %arg5[%add3A_361, %dma_start3A_362] : memref<65536x384xf32, #tpu.memory_space<hbm>> -> memref<128x256xf32, #tpu.memory_space<hbm>>
    %dma_start3A_364 = arith.constant 0 : i32
    %dma_start3A_365 = tpu.memref_slice %arg5[%add3A_361, %dma_start3A_364] : memref<65536x384xf32, #tpu.memory_space<hbm>> -> memref<128x256xf32, #tpu.memory_space<hbm>>
    tpu.enqueue_dma source(%arg9 : memref<128x256xf32, #tpu.memory_space<vmem>>) target(%dma_start3A_365 : memref<128x256xf32, #tpu.memory_space<hbm>>) target_semaphore(%arg17 : memref<!tpu.dma_semaphore, #tpu.memory_space<semaphore_mem>>)
    %dma_wait3A_366 = arith.constant 0 : i32
    %dma_wait3A_367 = tpu.memref_slice %arg5[%add3A_361, %dma_wait3A_366] : memref<65536x384xf32, #tpu.memory_space<hbm>> -> memref<128x256xf32, #tpu.memory_space<hbm>>
    %dma_wait3A_368 = arith.constant 0 : i32
    %dma_wait3A_369 = tpu.memref_slice %arg5[%add3A_361, %dma_wait3A_368] : memref<65536x384xf32, #tpu.memory_space<hbm>> -> memref<128x256xf32, #tpu.memory_space<hbm>>
    tpu.wait_dma2 semaphore(%arg17 : memref<!tpu.dma_semaphore, #tpu.memory_space<semaphore_mem>>) src(%arg9 : memref<128x256xf32, #tpu.memory_space<vmem>>) dst(%dma_wait3A_369 : memref<128x256xf32, #tpu.memory_space<hbm>>)
    %dma_wait3A_370 = arith.constant 256 : i32
    %dma_wait3A_371 = tpu.memref_slice %arg5[%add3A_351, %dma_wait3A_370] : memref<65536x384xf32, #tpu.memory_space<hbm>> -> memref<128x128xf32, #tpu.memory_space<hbm>>
    %dma_wait3A_372 = arith.constant 256 : i32
    %dma_wait3A_373 = tpu.memref_slice %arg5[%add3A_351, %dma_wait3A_372] : memref<65536x384xf32, #tpu.memory_space<hbm>> -> memref<128x128xf32, #tpu.memory_space<hbm>>
    tpu.wait_dma2 semaphore(%arg19 : memref<!tpu.dma_semaphore, #tpu.memory_space<semaphore_mem>>) src(%arg11 : memref<128x128xf32, #tpu.memory_space<vmem>>) dst(%dma_wait3A_373 : memref<128x128xf32, #tpu.memory_space<hbm>>)
    %add3A_374 = arith.constant 1152 : i32
    %add3A_375 = arith.addi %mul3A_2, %add3A_374 : i32
    %dma_start3A_376 = arith.constant 0 : i32
    %dma_start3A_377 = tpu.memref_slice %arg2[%add3A_375, %dma_start3A_376] : memref<65536x256xf32, #tpu.memory_space<hbm>> -> memref<128x256xf32, #tpu.memory_space<hbm>>
    %dma_start3A_378 = arith.constant 0 : i32
    %dma_start3A_379 = tpu.memref_slice %arg2[%add3A_375, %dma_start3A_378] : memref<65536x256xf32, #tpu.memory_space<hbm>> -> memref<128x256xf32, #tpu.memory_space<hbm>>
    tpu.enqueue_dma source(%dma_start3A_379 : memref<128x256xf32, #tpu.memory_space<hbm>>) target(%arg9 : memref<128x256xf32, #tpu.memory_space<vmem>>) target_semaphore(%arg13 : memref<!tpu.dma_semaphore, #tpu.memory_space<semaphore_mem>>)
    %dma_start3A_380 = arith.constant 9 : i32
    %dma_start3A_381 = arith.constant 0 : i32
    %dma_start3A_382 = tpu.memref_slice %arg6[%dma_start3A_380, %dma_start3A_381] : memref<16x128xi32, #tpu.memory_space<vmem>> -> memref<1x128xi32, #tpu.memory_space<vmem>>
    %dma_start3A_383 = tpu.memref_squeeze %dma_start3A_382 : memref<1x128xi32, #tpu.memory_space<vmem>> -> memref<128xi32, #tpu.memory_space<vmem>>
    %dma_start3A_384 = arith.constant 0 : i32
    %dma_start3A_385 = arith.constant 0 : i32
    %dma_start3A_386 = tpu.memref_slice %arg7[%dma_start3A_384, %dma_start3A_385] : memref<1000x128xf32, #tpu.memory_space<vmem_shared>> -> memref<1000x128xf32, #tpu.memory_space<vmem_shared>>
    tpu.enqueue_indirect_dma source(%dma_start3A_386 : memref<1000x128xf32, #tpu.memory_space<vmem_shared>>) target(%arg11 : memref<128x128xf32, #tpu.memory_space<vmem>>) offsets(%dma_start3A_383 : memref<128xi32, #tpu.memory_space<vmem>>) semaphore(%arg15 : memref<!tpu.dma_semaphore, #tpu.memory_space<semaphore_mem>>)
    %dma_wait3A_387 = arith.constant 8 : i32
    %dma_wait3A_388 = arith.constant 0 : i32
    %dma_wait3A_389 = tpu.memref_slice %arg6[%dma_wait3A_387, %dma_wait3A_388] : memref<16x128xi32, #tpu.memory_space<vmem>> -> memref<1x128xi32, #tpu.memory_space<vmem>>
    %dma_wait3A_390 = tpu.memref_squeeze %dma_wait3A_389 : memref<1x128xi32, #tpu.memory_space<vmem>> -> memref<128xi32, #tpu.memory_space<vmem>>
    %dma_wait3A_391 = arith.constant 0 : i32
    %dma_wait3A_392 = arith.constant 0 : i32
    %dma_wait3A_393 = tpu.memref_slice %arg7[%dma_wait3A_391, %dma_wait3A_392] : memref<1000x128xf32, #tpu.memory_space<vmem_shared>> -> memref<1000x128xf32, #tpu.memory_space<vmem_shared>>
    tpu.wait_indirect_dma semaphore(%arg14 : memref<!tpu.dma_semaphore, #tpu.memory_space<semaphore_mem>>) src(%dma_wait3A_393 : memref<1000x128xf32, #tpu.memory_space<vmem_shared>>) dst(%arg10 : memref<128x128xf32, #tpu.memory_space<vmem>>)
    %add3A_394 = arith.constant 1024 : i32
    %add3A_395 = arith.addi %mul3A_2, %add3A_394 : i32
    %dma_start3A_396 = arith.constant 256 : i32
    %dma_start3A_397 = tpu.memref_slice %arg5[%add3A_395, %dma_start3A_396] : memref<65536x384xf32, #tpu.memory_space<hbm>> -> memref<128x128xf32, #tpu.memory_space<hbm>>
    %dma_start3A_398 = arith.constant 256 : i32
    %dma_start3A_399 = tpu.memref_slice %arg5[%add3A_395, %dma_start3A_398] : memref<65536x384xf32, #tpu.memory_space<hbm>> -> memref<128x128xf32, #tpu.memory_space<hbm>>
    tpu.enqueue_dma source(%arg10 : memref<128x128xf32, #tpu.memory_space<vmem>>) target(%dma_start3A_399 : memref<128x128xf32, #tpu.memory_space<hbm>>) target_semaphore(%arg18 : memref<!tpu.dma_semaphore, #tpu.memory_space<semaphore_mem>>)
    %dma_wait3A_400 = arith.constant 0 : i32
    %dma_wait3A_401 = tpu.memref_slice %arg2[%add3A_331, %dma_wait3A_400] : memref<65536x256xf32, #tpu.memory_space<hbm>> -> memref<128x256xf32, #tpu.memory_space<hbm>>
    %dma_wait3A_402 = arith.constant 0 : i32
    %dma_wait3A_403 = tpu.memref_slice %arg2[%add3A_331, %dma_wait3A_402] : memref<65536x256xf32, #tpu.memory_space<hbm>> -> memref<128x256xf32, #tpu.memory_space<hbm>>
    tpu.wait_dma2 semaphore(%arg12 : memref<!tpu.dma_semaphore, #tpu.memory_space<semaphore_mem>>) src(%dma_wait3A_403 : memref<128x256xf32, #tpu.memory_space<hbm>>) dst(%arg8 : memref<128x256xf32, #tpu.memory_space<vmem>>)
    %add3A_404 = arith.constant 1024 : i32
    %add3A_405 = arith.addi %mul3A_2, %add3A_404 : i32
    %dma_start3A_406 = arith.constant 0 : i32
    %dma_start3A_407 = tpu.memref_slice %arg5[%add3A_405, %dma_start3A_406] : memref<65536x384xf32, #tpu.memory_space<hbm>> -> memref<128x256xf32, #tpu.memory_space<hbm>>
    %dma_start3A_408 = arith.constant 0 : i32
    %dma_start3A_409 = tpu.memref_slice %arg5[%add3A_405, %dma_start3A_408] : memref<65536x384xf32, #tpu.memory_space<hbm>> -> memref<128x256xf32, #tpu.memory_space<hbm>>
    tpu.enqueue_dma source(%arg8 : memref<128x256xf32, #tpu.memory_space<vmem>>) target(%dma_start3A_409 : memref<128x256xf32, #tpu.memory_space<hbm>>) target_semaphore(%arg16 : memref<!tpu.dma_semaphore, #tpu.memory_space<semaphore_mem>>)
    %dma_wait3A_410 = arith.constant 0 : i32
    %dma_wait3A_411 = tpu.memref_slice %arg5[%add3A_405, %dma_wait3A_410] : memref<65536x384xf32, #tpu.memory_space<hbm>> -> memref<128x256xf32, #tpu.memory_space<hbm>>
    %dma_wait3A_412 = arith.constant 0 : i32
    %dma_wait3A_413 = tpu.memref_slice %arg5[%add3A_405, %dma_wait3A_412] : memref<65536x384xf32, #tpu.memory_space<hbm>> -> memref<128x256xf32, #tpu.memory_space<hbm>>
    tpu.wait_dma2 semaphore(%arg16 : memref<!tpu.dma_semaphore, #tpu.memory_space<semaphore_mem>>) src(%arg8 : memref<128x256xf32, #tpu.memory_space<vmem>>) dst(%dma_wait3A_413 : memref<128x256xf32, #tpu.memory_space<hbm>>)
    %dma_wait3A_414 = arith.constant 256 : i32
    %dma_wait3A_415 = tpu.memref_slice %arg5[%add3A_395, %dma_wait3A_414] : memref<65536x384xf32, #tpu.memory_space<hbm>> -> memref<128x128xf32, #tpu.memory_space<hbm>>
    %dma_wait3A_416 = arith.constant 256 : i32
    %dma_wait3A_417 = tpu.memref_slice %arg5[%add3A_395, %dma_wait3A_416] : memref<65536x384xf32, #tpu.memory_space<hbm>> -> memref<128x128xf32, #tpu.memory_space<hbm>>
    tpu.wait_dma2 semaphore(%arg18 : memref<!tpu.dma_semaphore, #tpu.memory_space<semaphore_mem>>) src(%arg10 : memref<128x128xf32, #tpu.memory_space<vmem>>) dst(%dma_wait3A_417 : memref<128x128xf32, #tpu.memory_space<hbm>>)
    %add3A_418 = arith.constant 1280 : i32
    %add3A_419 = arith.addi %mul3A_2, %add3A_418 : i32
    %dma_start3A_420 = arith.constant 0 : i32
    %dma_start3A_421 = tpu.memref_slice %arg2[%add3A_419, %dma_start3A_420] : memref<65536x256xf32, #tpu.memory_space<hbm>> -> memref<128x256xf32, #tpu.memory_space<hbm>>
    %dma_start3A_422 = arith.constant 0 : i32
    %dma_start3A_423 = tpu.memref_slice %arg2[%add3A_419, %dma_start3A_422] : memref<65536x256xf32, #tpu.memory_space<hbm>> -> memref<128x256xf32, #tpu.memory_space<hbm>>
    tpu.enqueue_dma source(%dma_start3A_423 : memref<128x256xf32, #tpu.memory_space<hbm>>) target(%arg8 : memref<128x256xf32, #tpu.memory_space<vmem>>) target_semaphore(%arg12 : memref<!tpu.dma_semaphore, #tpu.memory_space<semaphore_mem>>)
    %dma_start3A_424 = arith.constant 10 : i32
    %dma_start3A_425 = arith.constant 0 : i32
    %dma_start3A_426 = tpu.memref_slice %arg6[%dma_start3A_424, %dma_start3A_425] : memref<16x128xi32, #tpu.memory_space<vmem>> -> memref<1x128xi32, #tpu.memory_space<vmem>>
    %dma_start3A_427 = tpu.memref_squeeze %dma_start3A_426 : memref<1x128xi32, #tpu.memory_space<vmem>> -> memref<128xi32, #tpu.memory_space<vmem>>
    %dma_start3A_428 = arith.constant 0 : i32
    %dma_start3A_429 = arith.constant 0 : i32
    %dma_start3A_430 = tpu.memref_slice %arg7[%dma_start3A_428, %dma_start3A_429] : memref<1000x128xf32, #tpu.memory_space<vmem_shared>> -> memref<1000x128xf32, #tpu.memory_space<vmem_shared>>
    tpu.enqueue_indirect_dma source(%dma_start3A_430 : memref<1000x128xf32, #tpu.memory_space<vmem_shared>>) target(%arg10 : memref<128x128xf32, #tpu.memory_space<vmem>>) offsets(%dma_start3A_427 : memref<128xi32, #tpu.memory_space<vmem>>) semaphore(%arg14 : memref<!tpu.dma_semaphore, #tpu.memory_space<semaphore_mem>>)
    %dma_wait3A_431 = arith.constant 9 : i32
    %dma_wait3A_432 = arith.constant 0 : i32
    %dma_wait3A_433 = tpu.memref_slice %arg6[%dma_wait3A_431, %dma_wait3A_432] : memref<16x128xi32, #tpu.memory_space<vmem>> -> memref<1x128xi32, #tpu.memory_space<vmem>>
    %dma_wait3A_434 = tpu.memref_squeeze %dma_wait3A_433 : memref<1x128xi32, #tpu.memory_space<vmem>> -> memref<128xi32, #tpu.memory_space<vmem>>
    %dma_wait3A_435 = arith.constant 0 : i32
    %dma_wait3A_436 = arith.constant 0 : i32
    %dma_wait3A_437 = tpu.memref_slice %arg7[%dma_wait3A_435, %dma_wait3A_436] : memref<1000x128xf32, #tpu.memory_space<vmem_shared>> -> memref<1000x128xf32, #tpu.memory_space<vmem_shared>>
    tpu.wait_indirect_dma semaphore(%arg15 : memref<!tpu.dma_semaphore, #tpu.memory_space<semaphore_mem>>) src(%dma_wait3A_437 : memref<1000x128xf32, #tpu.memory_space<vmem_shared>>) dst(%arg11 : memref<128x128xf32, #tpu.memory_space<vmem>>)
    %add3A_438 = arith.constant 1152 : i32
    %add3A_439 = arith.addi %mul3A_2, %add3A_438 : i32
    %dma_start3A_440 = arith.constant 256 : i32
    %dma_start3A_441 = tpu.memref_slice %arg5[%add3A_439, %dma_start3A_440] : memref<65536x384xf32, #tpu.memory_space<hbm>> -> memref<128x128xf32, #tpu.memory_space<hbm>>
    %dma_start3A_442 = arith.constant 256 : i32
    %dma_start3A_443 = tpu.memref_slice %arg5[%add3A_439, %dma_start3A_442] : memref<65536x384xf32, #tpu.memory_space<hbm>> -> memref<128x128xf32, #tpu.memory_space<hbm>>
    tpu.enqueue_dma source(%arg11 : memref<128x128xf32, #tpu.memory_space<vmem>>) target(%dma_start3A_443 : memref<128x128xf32, #tpu.memory_space<hbm>>) target_semaphore(%arg19 : memref<!tpu.dma_semaphore, #tpu.memory_space<semaphore_mem>>)
    %dma_wait3A_444 = arith.constant 0 : i32
    %dma_wait3A_445 = tpu.memref_slice %arg2[%add3A_375, %dma_wait3A_444] : memref<65536x256xf32, #tpu.memory_space<hbm>> -> memref<128x256xf32, #tpu.memory_space<hbm>>
    %dma_wait3A_446 = arith.constant 0 : i32
    %dma_wait3A_447 = tpu.memref_slice %arg2[%add3A_375, %dma_wait3A_446] : memref<65536x256xf32, #tpu.memory_space<hbm>> -> memref<128x256xf32, #tpu.memory_space<hbm>>
    tpu.wait_dma2 semaphore(%arg13 : memref<!tpu.dma_semaphore, #tpu.memory_space<semaphore_mem>>) src(%dma_wait3A_447 : memref<128x256xf32, #tpu.memory_space<hbm>>) dst(%arg9 : memref<128x256xf32, #tpu.memory_space<vmem>>)
    %add3A_448 = arith.constant 1152 : i32
    %add3A_449 = arith.addi %mul3A_2, %add3A_448 : i32
    %dma_start3A_450 = arith.constant 0 : i32
    %dma_start3A_451 = tpu.memref_slice %arg5[%add3A_449, %dma_start3A_450] : memref<65536x384xf32, #tpu.memory_space<hbm>> -> memref<128x256xf32, #tpu.memory_space<hbm>>
    %dma_start3A_452 = arith.constant 0 : i32
    %dma_start3A_453 = tpu.memref_slice %arg5[%add3A_449, %dma_start3A_452] : memref<65536x384xf32, #tpu.memory_space<hbm>> -> memref<128x256xf32, #tpu.memory_space<hbm>>
    tpu.enqueue_dma source(%arg9 : memref<128x256xf32, #tpu.memory_space<vmem>>) target(%dma_start3A_453 : memref<128x256xf32, #tpu.memory_space<hbm>>) target_semaphore(%arg17 : memref<!tpu.dma_semaphore, #tpu.memory_space<semaphore_mem>>)
    %dma_wait3A_454 = arith.constant 0 : i32
    %dma_wait3A_455 = tpu.memref_slice %arg5[%add3A_449, %dma_wait3A_454] : memref<65536x384xf32, #tpu.memory_space<hbm>> -> memref<128x256xf32, #tpu.memory_space<hbm>>
    %dma_wait3A_456 = arith.constant 0 : i32
    %dma_wait3A_457 = tpu.memref_slice %arg5[%add3A_449, %dma_wait3A_456] : memref<65536x384xf32, #tpu.memory_space<hbm>> -> memref<128x256xf32, #tpu.memory_space<hbm>>
    tpu.wait_dma2 semaphore(%arg17 : memref<!tpu.dma_semaphore, #tpu.memory_space<semaphore_mem>>) src(%arg9 : memref<128x256xf32, #tpu.memory_space<vmem>>) dst(%dma_wait3A_457 : memref<128x256xf32, #tpu.memory_space<hbm>>)
    %dma_wait3A_458 = arith.constant 256 : i32
    %dma_wait3A_459 = tpu.memref_slice %arg5[%add3A_439, %dma_wait3A_458] : memref<65536x384xf32, #tpu.memory_space<hbm>> -> memref<128x128xf32, #tpu.memory_space<hbm>>
    %dma_wait3A_460 = arith.constant 256 : i32
    %dma_wait3A_461 = tpu.memref_slice %arg5[%add3A_439, %dma_wait3A_460] : memref<65536x384xf32, #tpu.memory_space<hbm>> -> memref<128x128xf32, #tpu.memory_space<hbm>>
    tpu.wait_dma2 semaphore(%arg19 : memref<!tpu.dma_semaphore, #tpu.memory_space<semaphore_mem>>) src(%arg11 : memref<128x128xf32, #tpu.memory_space<vmem>>) dst(%dma_wait3A_461 : memref<128x128xf32, #tpu.memory_space<hbm>>)
    %add3A_462 = arith.constant 1408 : i32
    %add3A_463 = arith.addi %mul3A_2, %add3A_462 : i32
    %dma_start3A_464 = arith.constant 0 : i32
    %dma_start3A_465 = tpu.memref_slice %arg2[%add3A_463, %dma_start3A_464] : memref<65536x256xf32, #tpu.memory_space<hbm>> -> memref<128x256xf32, #tpu.memory_space<hbm>>
    %dma_start3A_466 = arith.constant 0 : i32
    %dma_start3A_467 = tpu.memref_slice %arg2[%add3A_463, %dma_start3A_466] : memref<65536x256xf32, #tpu.memory_space<hbm>> -> memref<128x256xf32, #tpu.memory_space<hbm>>
    tpu.enqueue_dma source(%dma_start3A_467 : memref<128x256xf32, #tpu.memory_space<hbm>>) target(%arg9 : memref<128x256xf32, #tpu.memory_space<vmem>>) target_semaphore(%arg13 : memref<!tpu.dma_semaphore, #tpu.memory_space<semaphore_mem>>)
    %dma_start3A_468 = arith.constant 11 : i32
    %dma_start3A_469 = arith.constant 0 : i32
    %dma_start3A_470 = tpu.memref_slice %arg6[%dma_start3A_468, %dma_start3A_469] : memref<16x128xi32, #tpu.memory_space<vmem>> -> memref<1x128xi32, #tpu.memory_space<vmem>>
    %dma_start3A_471 = tpu.memref_squeeze %dma_start3A_470 : memref<1x128xi32, #tpu.memory_space<vmem>> -> memref<128xi32, #tpu.memory_space<vmem>>
    %dma_start3A_472 = arith.constant 0 : i32
    %dma_start3A_473 = arith.constant 0 : i32
    %dma_start3A_474 = tpu.memref_slice %arg7[%dma_start3A_472, %dma_start3A_473] : memref<1000x128xf32, #tpu.memory_space<vmem_shared>> -> memref<1000x128xf32, #tpu.memory_space<vmem_shared>>
    tpu.enqueue_indirect_dma source(%dma_start3A_474 : memref<1000x128xf32, #tpu.memory_space<vmem_shared>>) target(%arg11 : memref<128x128xf32, #tpu.memory_space<vmem>>) offsets(%dma_start3A_471 : memref<128xi32, #tpu.memory_space<vmem>>) semaphore(%arg15 : memref<!tpu.dma_semaphore, #tpu.memory_space<semaphore_mem>>)
    %dma_wait3A_475 = arith.constant 10 : i32
    %dma_wait3A_476 = arith.constant 0 : i32
    %dma_wait3A_477 = tpu.memref_slice %arg6[%dma_wait3A_475, %dma_wait3A_476] : memref<16x128xi32, #tpu.memory_space<vmem>> -> memref<1x128xi32, #tpu.memory_space<vmem>>
    %dma_wait3A_478 = tpu.memref_squeeze %dma_wait3A_477 : memref<1x128xi32, #tpu.memory_space<vmem>> -> memref<128xi32, #tpu.memory_space<vmem>>
    %dma_wait3A_479 = arith.constant 0 : i32
    %dma_wait3A_480 = arith.constant 0 : i32
    %dma_wait3A_481 = tpu.memref_slice %arg7[%dma_wait3A_479, %dma_wait3A_480] : memref<1000x128xf32, #tpu.memory_space<vmem_shared>> -> memref<1000x128xf32, #tpu.memory_space<vmem_shared>>
    tpu.wait_indirect_dma semaphore(%arg14 : memref<!tpu.dma_semaphore, #tpu.memory_space<semaphore_mem>>) src(%dma_wait3A_481 : memref<1000x128xf32, #tpu.memory_space<vmem_shared>>) dst(%arg10 : memref<128x128xf32, #tpu.memory_space<vmem>>)
    %add3A_482 = arith.constant 1280 : i32
    %add3A_483 = arith.addi %mul3A_2, %add3A_482 : i32
    %dma_start3A_484 = arith.constant 256 : i32
    %dma_start3A_485 = tpu.memref_slice %arg5[%add3A_483, %dma_start3A_484] : memref<65536x384xf32, #tpu.memory_space<hbm>> -> memref<128x128xf32, #tpu.memory_space<hbm>>
    %dma_start3A_486 = arith.constant 256 : i32
    %dma_start3A_487 = tpu.memref_slice %arg5[%add3A_483, %dma_start3A_486] : memref<65536x384xf32, #tpu.memory_space<hbm>> -> memref<128x128xf32, #tpu.memory_space<hbm>>
    tpu.enqueue_dma source(%arg10 : memref<128x128xf32, #tpu.memory_space<vmem>>) target(%dma_start3A_487 : memref<128x128xf32, #tpu.memory_space<hbm>>) target_semaphore(%arg18 : memref<!tpu.dma_semaphore, #tpu.memory_space<semaphore_mem>>)
    %dma_wait3A_488 = arith.constant 0 : i32
    %dma_wait3A_489 = tpu.memref_slice %arg2[%add3A_419, %dma_wait3A_488] : memref<65536x256xf32, #tpu.memory_space<hbm>> -> memref<128x256xf32, #tpu.memory_space<hbm>>
    %dma_wait3A_490 = arith.constant 0 : i32
    %dma_wait3A_491 = tpu.memref_slice %arg2[%add3A_419, %dma_wait3A_490] : memref<65536x256xf32, #tpu.memory_space<hbm>> -> memref<128x256xf32, #tpu.memory_space<hbm>>
    tpu.wait_dma2 semaphore(%arg12 : memref<!tpu.dma_semaphore, #tpu.memory_space<semaphore_mem>>) src(%dma_wait3A_491 : memref<128x256xf32, #tpu.memory_space<hbm>>) dst(%arg8 : memref<128x256xf32, #tpu.memory_space<vmem>>)
    %add3A_492 = arith.constant 1280 : i32
    %add3A_493 = arith.addi %mul3A_2, %add3A_492 : i32
    %dma_start3A_494 = arith.constant 0 : i32
    %dma_start3A_495 = tpu.memref_slice %arg5[%add3A_493, %dma_start3A_494] : memref<65536x384xf32, #tpu.memory_space<hbm>> -> memref<128x256xf32, #tpu.memory_space<hbm>>
    %dma_start3A_496 = arith.constant 0 : i32
    %dma_start3A_497 = tpu.memref_slice %arg5[%add3A_493, %dma_start3A_496] : memref<65536x384xf32, #tpu.memory_space<hbm>> -> memref<128x256xf32, #tpu.memory_space<hbm>>
    tpu.enqueue_dma source(%arg8 : memref<128x256xf32, #tpu.memory_space<vmem>>) target(%dma_start3A_497 : memref<128x256xf32, #tpu.memory_space<hbm>>) target_semaphore(%arg16 : memref<!tpu.dma_semaphore, #tpu.memory_space<semaphore_mem>>)
    %dma_wait3A_498 = arith.constant 0 : i32
    %dma_wait3A_499 = tpu.memref_slice %arg5[%add3A_493, %dma_wait3A_498] : memref<65536x384xf32, #tpu.memory_space<hbm>> -> memref<128x256xf32, #tpu.memory_space<hbm>>
    %dma_wait3A_500 = arith.constant 0 : i32
    %dma_wait3A_501 = tpu.memref_slice %arg5[%add3A_493, %dma_wait3A_500] : memref<65536x384xf32, #tpu.memory_space<hbm>> -> memref<128x256xf32, #tpu.memory_space<hbm>>
    tpu.wait_dma2 semaphore(%arg16 : memref<!tpu.dma_semaphore, #tpu.memory_space<semaphore_mem>>) src(%arg8 : memref<128x256xf32, #tpu.memory_space<vmem>>) dst(%dma_wait3A_501 : memref<128x256xf32, #tpu.memory_space<hbm>>)
    %dma_wait3A_502 = arith.constant 256 : i32
    %dma_wait3A_503 = tpu.memref_slice %arg5[%add3A_483, %dma_wait3A_502] : memref<65536x384xf32, #tpu.memory_space<hbm>> -> memref<128x128xf32, #tpu.memory_space<hbm>>
    %dma_wait3A_504 = arith.constant 256 : i32
    %dma_wait3A_505 = tpu.memref_slice %arg5[%add3A_483, %dma_wait3A_504] : memref<65536x384xf32, #tpu.memory_space<hbm>> -> memref<128x128xf32, #tpu.memory_space<hbm>>
    tpu.wait_dma2 semaphore(%arg18 : memref<!tpu.dma_semaphore, #tpu.memory_space<semaphore_mem>>) src(%arg10 : memref<128x128xf32, #tpu.memory_space<vmem>>) dst(%dma_wait3A_505 : memref<128x128xf32, #tpu.memory_space<hbm>>)
    %add3A_506 = arith.constant 1536 : i32
    %add3A_507 = arith.addi %mul3A_2, %add3A_506 : i32
    %dma_start3A_508 = arith.constant 0 : i32
    %dma_start3A_509 = tpu.memref_slice %arg2[%add3A_507, %dma_start3A_508] : memref<65536x256xf32, #tpu.memory_space<hbm>> -> memref<128x256xf32, #tpu.memory_space<hbm>>
    %dma_start3A_510 = arith.constant 0 : i32
    %dma_start3A_511 = tpu.memref_slice %arg2[%add3A_507, %dma_start3A_510] : memref<65536x256xf32, #tpu.memory_space<hbm>> -> memref<128x256xf32, #tpu.memory_space<hbm>>
    tpu.enqueue_dma source(%dma_start3A_511 : memref<128x256xf32, #tpu.memory_space<hbm>>) target(%arg8 : memref<128x256xf32, #tpu.memory_space<vmem>>) target_semaphore(%arg12 : memref<!tpu.dma_semaphore, #tpu.memory_space<semaphore_mem>>)
    %dma_start3A_512 = arith.constant 12 : i32
    %dma_start3A_513 = arith.constant 0 : i32
    %dma_start3A_514 = tpu.memref_slice %arg6[%dma_start3A_512, %dma_start3A_513] : memref<16x128xi32, #tpu.memory_space<vmem>> -> memref<1x128xi32, #tpu.memory_space<vmem>>
    %dma_start3A_515 = tpu.memref_squeeze %dma_start3A_514 : memref<1x128xi32, #tpu.memory_space<vmem>> -> memref<128xi32, #tpu.memory_space<vmem>>
    %dma_start3A_516 = arith.constant 0 : i32
    %dma_start3A_517 = arith.constant 0 : i32
    %dma_start3A_518 = tpu.memref_slice %arg7[%dma_start3A_516, %dma_start3A_517] : memref<1000x128xf32, #tpu.memory_space<vmem_shared>> -> memref<1000x128xf32, #tpu.memory_space<vmem_shared>>
    tpu.enqueue_indirect_dma source(%dma_start3A_518 : memref<1000x128xf32, #tpu.memory_space<vmem_shared>>) target(%arg10 : memref<128x128xf32, #tpu.memory_space<vmem>>) offsets(%dma_start3A_515 : memref<128xi32, #tpu.memory_space<vmem>>) semaphore(%arg14 : memref<!tpu.dma_semaphore, #tpu.memory_space<semaphore_mem>>)
    %dma_wait3A_519 = arith.constant 11 : i32
    %dma_wait3A_520 = arith.constant 0 : i32
    %dma_wait3A_521 = tpu.memref_slice %arg6[%dma_wait3A_519, %dma_wait3A_520] : memref<16x128xi32, #tpu.memory_space<vmem>> -> memref<1x128xi32, #tpu.memory_space<vmem>>
    %dma_wait3A_522 = tpu.memref_squeeze %dma_wait3A_521 : memref<1x128xi32, #tpu.memory_space<vmem>> -> memref<128xi32, #tpu.memory_space<vmem>>
    %dma_wait3A_523 = arith.constant 0 : i32
    %dma_wait3A_524 = arith.constant 0 : i32
    %dma_wait3A_525 = tpu.memref_slice %arg7[%dma_wait3A_523, %dma_wait3A_524] : memref<1000x128xf32, #tpu.memory_space<vmem_shared>> -> memref<1000x128xf32, #tpu.memory_space<vmem_shared>>
    tpu.wait_indirect_dma semaphore(%arg15 : memref<!tpu.dma_semaphore, #tpu.memory_space<semaphore_mem>>) src(%dma_wait3A_525 : memref<1000x128xf32, #tpu.memory_space<vmem_shared>>) dst(%arg11 : memref<128x128xf32, #tpu.memory_space<vmem>>)
    %add3A_526 = arith.constant 1408 : i32
    %add3A_527 = arith.addi %mul3A_2, %add3A_526 : i32
    %dma_start3A_528 = arith.constant 256 : i32
    %dma_start3A_529 = tpu.memref_slice %arg5[%add3A_527, %dma_start3A_528] : memref<65536x384xf32, #tpu.memory_space<hbm>> -> memref<128x128xf32, #tpu.memory_space<hbm>>
    %dma_start3A_530 = arith.constant 256 : i32
    %dma_start3A_531 = tpu.memref_slice %arg5[%add3A_527, %dma_start3A_530] : memref<65536x384xf32, #tpu.memory_space<hbm>> -> memref<128x128xf32, #tpu.memory_space<hbm>>
    tpu.enqueue_dma source(%arg11 : memref<128x128xf32, #tpu.memory_space<vmem>>) target(%dma_start3A_531 : memref<128x128xf32, #tpu.memory_space<hbm>>) target_semaphore(%arg19 : memref<!tpu.dma_semaphore, #tpu.memory_space<semaphore_mem>>)
    %dma_wait3A_532 = arith.constant 0 : i32
    %dma_wait3A_533 = tpu.memref_slice %arg2[%add3A_463, %dma_wait3A_532] : memref<65536x256xf32, #tpu.memory_space<hbm>> -> memref<128x256xf32, #tpu.memory_space<hbm>>
    %dma_wait3A_534 = arith.constant 0 : i32
    %dma_wait3A_535 = tpu.memref_slice %arg2[%add3A_463, %dma_wait3A_534] : memref<65536x256xf32, #tpu.memory_space<hbm>> -> memref<128x256xf32, #tpu.memory_space<hbm>>
    tpu.wait_dma2 semaphore(%arg13 : memref<!tpu.dma_semaphore, #tpu.memory_space<semaphore_mem>>) src(%dma_wait3A_535 : memref<128x256xf32, #tpu.memory_space<hbm>>) dst(%arg9 : memref<128x256xf32, #tpu.memory_space<vmem>>)
    %add3A_536 = arith.constant 1408 : i32
    %add3A_537 = arith.addi %mul3A_2, %add3A_536 : i32
    %dma_start3A_538 = arith.constant 0 : i32
    %dma_start3A_539 = tpu.memref_slice %arg5[%add3A_537, %dma_start3A_538] : memref<65536x384xf32, #tpu.memory_space<hbm>> -> memref<128x256xf32, #tpu.memory_space<hbm>>
    %dma_start3A_540 = arith.constant 0 : i32
    %dma_start3A_541 = tpu.memref_slice %arg5[%add3A_537, %dma_start3A_540] : memref<65536x384xf32, #tpu.memory_space<hbm>> -> memref<128x256xf32, #tpu.memory_space<hbm>>
    tpu.enqueue_dma source(%arg9 : memref<128x256xf32, #tpu.memory_space<vmem>>) target(%dma_start3A_541 : memref<128x256xf32, #tpu.memory_space<hbm>>) target_semaphore(%arg17 : memref<!tpu.dma_semaphore, #tpu.memory_space<semaphore_mem>>)
    %dma_wait3A_542 = arith.constant 0 : i32
    %dma_wait3A_543 = tpu.memref_slice %arg5[%add3A_537, %dma_wait3A_542] : memref<65536x384xf32, #tpu.memory_space<hbm>> -> memref<128x256xf32, #tpu.memory_space<hbm>>
    %dma_wait3A_544 = arith.constant 0 : i32
    %dma_wait3A_545 = tpu.memref_slice %arg5[%add3A_537, %dma_wait3A_544] : memref<65536x384xf32, #tpu.memory_space<hbm>> -> memref<128x256xf32, #tpu.memory_space<hbm>>
    tpu.wait_dma2 semaphore(%arg17 : memref<!tpu.dma_semaphore, #tpu.memory_space<semaphore_mem>>) src(%arg9 : memref<128x256xf32, #tpu.memory_space<vmem>>) dst(%dma_wait3A_545 : memref<128x256xf32, #tpu.memory_space<hbm>>)
    %dma_wait3A_546 = arith.constant 256 : i32
    %dma_wait3A_547 = tpu.memref_slice %arg5[%add3A_527, %dma_wait3A_546] : memref<65536x384xf32, #tpu.memory_space<hbm>> -> memref<128x128xf32, #tpu.memory_space<hbm>>
    %dma_wait3A_548 = arith.constant 256 : i32
    %dma_wait3A_549 = tpu.memref_slice %arg5[%add3A_527, %dma_wait3A_548] : memref<65536x384xf32, #tpu.memory_space<hbm>> -> memref<128x128xf32, #tpu.memory_space<hbm>>
    tpu.wait_dma2 semaphore(%arg19 : memref<!tpu.dma_semaphore, #tpu.memory_space<semaphore_mem>>) src(%arg11 : memref<128x128xf32, #tpu.memory_space<vmem>>) dst(%dma_wait3A_549 : memref<128x128xf32, #tpu.memory_space<hbm>>)
    %add3A_550 = arith.constant 1664 : i32
    %add3A_551 = arith.addi %mul3A_2, %add3A_550 : i32
    %dma_start3A_552 = arith.constant 0 : i32
    %dma_start3A_553 = tpu.memref_slice %arg2[%add3A_551, %dma_start3A_552] : memref<65536x256xf32, #tpu.memory_space<hbm>> -> memref<128x256xf32, #tpu.memory_space<hbm>>
    %dma_start3A_554 = arith.constant 0 : i32
    %dma_start3A_555 = tpu.memref_slice %arg2[%add3A_551, %dma_start3A_554] : memref<65536x256xf32, #tpu.memory_space<hbm>> -> memref<128x256xf32, #tpu.memory_space<hbm>>
    tpu.enqueue_dma source(%dma_start3A_555 : memref<128x256xf32, #tpu.memory_space<hbm>>) target(%arg9 : memref<128x256xf32, #tpu.memory_space<vmem>>) target_semaphore(%arg13 : memref<!tpu.dma_semaphore, #tpu.memory_space<semaphore_mem>>)
    %dma_start3A_556 = arith.constant 13 : i32
    %dma_start3A_557 = arith.constant 0 : i32
    %dma_start3A_558 = tpu.memref_slice %arg6[%dma_start3A_556, %dma_start3A_557] : memref<16x128xi32, #tpu.memory_space<vmem>> -> memref<1x128xi32, #tpu.memory_space<vmem>>
    %dma_start3A_559 = tpu.memref_squeeze %dma_start3A_558 : memref<1x128xi32, #tpu.memory_space<vmem>> -> memref<128xi32, #tpu.memory_space<vmem>>
    %dma_start3A_560 = arith.constant 0 : i32
    %dma_start3A_561 = arith.constant 0 : i32
    %dma_start3A_562 = tpu.memref_slice %arg7[%dma_start3A_560, %dma_start3A_561] : memref<1000x128xf32, #tpu.memory_space<vmem_shared>> -> memref<1000x128xf32, #tpu.memory_space<vmem_shared>>
    tpu.enqueue_indirect_dma source(%dma_start3A_562 : memref<1000x128xf32, #tpu.memory_space<vmem_shared>>) target(%arg11 : memref<128x128xf32, #tpu.memory_space<vmem>>) offsets(%dma_start3A_559 : memref<128xi32, #tpu.memory_space<vmem>>) semaphore(%arg15 : memref<!tpu.dma_semaphore, #tpu.memory_space<semaphore_mem>>)
    %dma_wait3A_563 = arith.constant 12 : i32
    %dma_wait3A_564 = arith.constant 0 : i32
    %dma_wait3A_565 = tpu.memref_slice %arg6[%dma_wait3A_563, %dma_wait3A_564] : memref<16x128xi32, #tpu.memory_space<vmem>> -> memref<1x128xi32, #tpu.memory_space<vmem>>
    %dma_wait3A_566 = tpu.memref_squeeze %dma_wait3A_565 : memref<1x128xi32, #tpu.memory_space<vmem>> -> memref<128xi32, #tpu.memory_space<vmem>>
    %dma_wait3A_567 = arith.constant 0 : i32
    %dma_wait3A_568 = arith.constant 0 : i32
    %dma_wait3A_569 = tpu.memref_slice %arg7[%dma_wait3A_567, %dma_wait3A_568] : memref<1000x128xf32, #tpu.memory_space<vmem_shared>> -> memref<1000x128xf32, #tpu.memory_space<vmem_shared>>
    tpu.wait_indirect_dma semaphore(%arg14 : memref<!tpu.dma_semaphore, #tpu.memory_space<semaphore_mem>>) src(%dma_wait3A_569 : memref<1000x128xf32, #tpu.memory_space<vmem_shared>>) dst(%arg10 : memref<128x128xf32, #tpu.memory_space<vmem>>)
    %add3A_570 = arith.constant 1536 : i32
    %add3A_571 = arith.addi %mul3A_2, %add3A_570 : i32
    %dma_start3A_572 = arith.constant 256 : i32
    %dma_start3A_573 = tpu.memref_slice %arg5[%add3A_571, %dma_start3A_572] : memref<65536x384xf32, #tpu.memory_space<hbm>> -> memref<128x128xf32, #tpu.memory_space<hbm>>
    %dma_start3A_574 = arith.constant 256 : i32
    %dma_start3A_575 = tpu.memref_slice %arg5[%add3A_571, %dma_start3A_574] : memref<65536x384xf32, #tpu.memory_space<hbm>> -> memref<128x128xf32, #tpu.memory_space<hbm>>
    tpu.enqueue_dma source(%arg10 : memref<128x128xf32, #tpu.memory_space<vmem>>) target(%dma_start3A_575 : memref<128x128xf32, #tpu.memory_space<hbm>>) target_semaphore(%arg18 : memref<!tpu.dma_semaphore, #tpu.memory_space<semaphore_mem>>)
    %dma_wait3A_576 = arith.constant 0 : i32
    %dma_wait3A_577 = tpu.memref_slice %arg2[%add3A_507, %dma_wait3A_576] : memref<65536x256xf32, #tpu.memory_space<hbm>> -> memref<128x256xf32, #tpu.memory_space<hbm>>
    %dma_wait3A_578 = arith.constant 0 : i32
    %dma_wait3A_579 = tpu.memref_slice %arg2[%add3A_507, %dma_wait3A_578] : memref<65536x256xf32, #tpu.memory_space<hbm>> -> memref<128x256xf32, #tpu.memory_space<hbm>>
    tpu.wait_dma2 semaphore(%arg12 : memref<!tpu.dma_semaphore, #tpu.memory_space<semaphore_mem>>) src(%dma_wait3A_579 : memref<128x256xf32, #tpu.memory_space<hbm>>) dst(%arg8 : memref<128x256xf32, #tpu.memory_space<vmem>>)
    %add3A_580 = arith.constant 1536 : i32
    %add3A_581 = arith.addi %mul3A_2, %add3A_580 : i32
    %dma_start3A_582 = arith.constant 0 : i32
    %dma_start3A_583 = tpu.memref_slice %arg5[%add3A_581, %dma_start3A_582] : memref<65536x384xf32, #tpu.memory_space<hbm>> -> memref<128x256xf32, #tpu.memory_space<hbm>>
    %dma_start3A_584 = arith.constant 0 : i32
    %dma_start3A_585 = tpu.memref_slice %arg5[%add3A_581, %dma_start3A_584] : memref<65536x384xf32, #tpu.memory_space<hbm>> -> memref<128x256xf32, #tpu.memory_space<hbm>>
    tpu.enqueue_dma source(%arg8 : memref<128x256xf32, #tpu.memory_space<vmem>>) target(%dma_start3A_585 : memref<128x256xf32, #tpu.memory_space<hbm>>) target_semaphore(%arg16 : memref<!tpu.dma_semaphore, #tpu.memory_space<semaphore_mem>>)
    %dma_wait3A_586 = arith.constant 0 : i32
    %dma_wait3A_587 = tpu.memref_slice %arg5[%add3A_581, %dma_wait3A_586] : memref<65536x384xf32, #tpu.memory_space<hbm>> -> memref<128x256xf32, #tpu.memory_space<hbm>>
    %dma_wait3A_588 = arith.constant 0 : i32
    %dma_wait3A_589 = tpu.memref_slice %arg5[%add3A_581, %dma_wait3A_588] : memref<65536x384xf32, #tpu.memory_space<hbm>> -> memref<128x256xf32, #tpu.memory_space<hbm>>
    tpu.wait_dma2 semaphore(%arg16 : memref<!tpu.dma_semaphore, #tpu.memory_space<semaphore_mem>>) src(%arg8 : memref<128x256xf32, #tpu.memory_space<vmem>>) dst(%dma_wait3A_589 : memref<128x256xf32, #tpu.memory_space<hbm>>)
    %dma_wait3A_590 = arith.constant 256 : i32
    %dma_wait3A_591 = tpu.memref_slice %arg5[%add3A_571, %dma_wait3A_590] : memref<65536x384xf32, #tpu.memory_space<hbm>> -> memref<128x128xf32, #tpu.memory_space<hbm>>
    %dma_wait3A_592 = arith.constant 256 : i32
    %dma_wait3A_593 = tpu.memref_slice %arg5[%add3A_571, %dma_wait3A_592] : memref<65536x384xf32, #tpu.memory_space<hbm>> -> memref<128x128xf32, #tpu.memory_space<hbm>>
    tpu.wait_dma2 semaphore(%arg18 : memref<!tpu.dma_semaphore, #tpu.memory_space<semaphore_mem>>) src(%arg10 : memref<128x128xf32, #tpu.memory_space<vmem>>) dst(%dma_wait3A_593 : memref<128x128xf32, #tpu.memory_space<hbm>>)
    %add3A_594 = arith.constant 1792 : i32
    %add3A_595 = arith.addi %mul3A_2, %add3A_594 : i32
    %dma_start3A_596 = arith.constant 0 : i32
    %dma_start3A_597 = tpu.memref_slice %arg2[%add3A_595, %dma_start3A_596] : memref<65536x256xf32, #tpu.memory_space<hbm>> -> memref<128x256xf32, #tpu.memory_space<hbm>>
    %dma_start3A_598 = arith.constant 0 : i32
    %dma_start3A_599 = tpu.memref_slice %arg2[%add3A_595, %dma_start3A_598] : memref<65536x256xf32, #tpu.memory_space<hbm>> -> memref<128x256xf32, #tpu.memory_space<hbm>>
    tpu.enqueue_dma source(%dma_start3A_599 : memref<128x256xf32, #tpu.memory_space<hbm>>) target(%arg8 : memref<128x256xf32, #tpu.memory_space<vmem>>) target_semaphore(%arg12 : memref<!tpu.dma_semaphore, #tpu.memory_space<semaphore_mem>>)
    %dma_start3A_600 = arith.constant 14 : i32
    %dma_start3A_601 = arith.constant 0 : i32
    %dma_start3A_602 = tpu.memref_slice %arg6[%dma_start3A_600, %dma_start3A_601] : memref<16x128xi32, #tpu.memory_space<vmem>> -> memref<1x128xi32, #tpu.memory_space<vmem>>
    %dma_start3A_603 = tpu.memref_squeeze %dma_start3A_602 : memref<1x128xi32, #tpu.memory_space<vmem>> -> memref<128xi32, #tpu.memory_space<vmem>>
    %dma_start3A_604 = arith.constant 0 : i32
    %dma_start3A_605 = arith.constant 0 : i32
    %dma_start3A_606 = tpu.memref_slice %arg7[%dma_start3A_604, %dma_start3A_605] : memref<1000x128xf32, #tpu.memory_space<vmem_shared>> -> memref<1000x128xf32, #tpu.memory_space<vmem_shared>>
    tpu.enqueue_indirect_dma source(%dma_start3A_606 : memref<1000x128xf32, #tpu.memory_space<vmem_shared>>) target(%arg10 : memref<128x128xf32, #tpu.memory_space<vmem>>) offsets(%dma_start3A_603 : memref<128xi32, #tpu.memory_space<vmem>>) semaphore(%arg14 : memref<!tpu.dma_semaphore, #tpu.memory_space<semaphore_mem>>)
    %dma_wait3A_607 = arith.constant 13 : i32
    %dma_wait3A_608 = arith.constant 0 : i32
    %dma_wait3A_609 = tpu.memref_slice %arg6[%dma_wait3A_607, %dma_wait3A_608] : memref<16x128xi32, #tpu.memory_space<vmem>> -> memref<1x128xi32, #tpu.memory_space<vmem>>
    %dma_wait3A_610 = tpu.memref_squeeze %dma_wait3A_609 : memref<1x128xi32, #tpu.memory_space<vmem>> -> memref<128xi32, #tpu.memory_space<vmem>>
    %dma_wait3A_611 = arith.constant 0 : i32
    %dma_wait3A_612 = arith.constant 0 : i32
    %dma_wait3A_613 = tpu.memref_slice %arg7[%dma_wait3A_611, %dma_wait3A_612] : memref<1000x128xf32, #tpu.memory_space<vmem_shared>> -> memref<1000x128xf32, #tpu.memory_space<vmem_shared>>
    tpu.wait_indirect_dma semaphore(%arg15 : memref<!tpu.dma_semaphore, #tpu.memory_space<semaphore_mem>>) src(%dma_wait3A_613 : memref<1000x128xf32, #tpu.memory_space<vmem_shared>>) dst(%arg11 : memref<128x128xf32, #tpu.memory_space<vmem>>)
    %add3A_614 = arith.constant 1664 : i32
    %add3A_615 = arith.addi %mul3A_2, %add3A_614 : i32
    %dma_start3A_616 = arith.constant 256 : i32
    %dma_start3A_617 = tpu.memref_slice %arg5[%add3A_615, %dma_start3A_616] : memref<65536x384xf32, #tpu.memory_space<hbm>> -> memref<128x128xf32, #tpu.memory_space<hbm>>
    %dma_start3A_618 = arith.constant 256 : i32
    %dma_start3A_619 = tpu.memref_slice %arg5[%add3A_615, %dma_start3A_618] : memref<65536x384xf32, #tpu.memory_space<hbm>> -> memref<128x128xf32, #tpu.memory_space<hbm>>
    tpu.enqueue_dma source(%arg11 : memref<128x128xf32, #tpu.memory_space<vmem>>) target(%dma_start3A_619 : memref<128x128xf32, #tpu.memory_space<hbm>>) target_semaphore(%arg19 : memref<!tpu.dma_semaphore, #tpu.memory_space<semaphore_mem>>)
    %dma_wait3A_620 = arith.constant 0 : i32
    %dma_wait3A_621 = tpu.memref_slice %arg2[%add3A_551, %dma_wait3A_620] : memref<65536x256xf32, #tpu.memory_space<hbm>> -> memref<128x256xf32, #tpu.memory_space<hbm>>
    %dma_wait3A_622 = arith.constant 0 : i32
    %dma_wait3A_623 = tpu.memref_slice %arg2[%add3A_551, %dma_wait3A_622] : memref<65536x256xf32, #tpu.memory_space<hbm>> -> memref<128x256xf32, #tpu.memory_space<hbm>>
    tpu.wait_dma2 semaphore(%arg13 : memref<!tpu.dma_semaphore, #tpu.memory_space<semaphore_mem>>) src(%dma_wait3A_623 : memref<128x256xf32, #tpu.memory_space<hbm>>) dst(%arg9 : memref<128x256xf32, #tpu.memory_space<vmem>>)
    %add3A_624 = arith.constant 1664 : i32
    %add3A_625 = arith.addi %mul3A_2, %add3A_624 : i32
    %dma_start3A_626 = arith.constant 0 : i32
    %dma_start3A_627 = tpu.memref_slice %arg5[%add3A_625, %dma_start3A_626] : memref<65536x384xf32, #tpu.memory_space<hbm>> -> memref<128x256xf32, #tpu.memory_space<hbm>>
    %dma_start3A_628 = arith.constant 0 : i32
    %dma_start3A_629 = tpu.memref_slice %arg5[%add3A_625, %dma_start3A_628] : memref<65536x384xf32, #tpu.memory_space<hbm>> -> memref<128x256xf32, #tpu.memory_space<hbm>>
    tpu.enqueue_dma source(%arg9 : memref<128x256xf32, #tpu.memory_space<vmem>>) target(%dma_start3A_629 : memref<128x256xf32, #tpu.memory_space<hbm>>) target_semaphore(%arg17 : memref<!tpu.dma_semaphore, #tpu.memory_space<semaphore_mem>>)
    %dma_wait3A_630 = arith.constant 0 : i32
    %dma_wait3A_631 = tpu.memref_slice %arg5[%add3A_625, %dma_wait3A_630] : memref<65536x384xf32, #tpu.memory_space<hbm>> -> memref<128x256xf32, #tpu.memory_space<hbm>>
    %dma_wait3A_632 = arith.constant 0 : i32
    %dma_wait3A_633 = tpu.memref_slice %arg5[%add3A_625, %dma_wait3A_632] : memref<65536x384xf32, #tpu.memory_space<hbm>> -> memref<128x256xf32, #tpu.memory_space<hbm>>
    tpu.wait_dma2 semaphore(%arg17 : memref<!tpu.dma_semaphore, #tpu.memory_space<semaphore_mem>>) src(%arg9 : memref<128x256xf32, #tpu.memory_space<vmem>>) dst(%dma_wait3A_633 : memref<128x256xf32, #tpu.memory_space<hbm>>)
    %dma_wait3A_634 = arith.constant 256 : i32
    %dma_wait3A_635 = tpu.memref_slice %arg5[%add3A_615, %dma_wait3A_634] : memref<65536x384xf32, #tpu.memory_space<hbm>> -> memref<128x128xf32, #tpu.memory_space<hbm>>
    %dma_wait3A_636 = arith.constant 256 : i32
    %dma_wait3A_637 = tpu.memref_slice %arg5[%add3A_615, %dma_wait3A_636] : memref<65536x384xf32, #tpu.memory_space<hbm>> -> memref<128x128xf32, #tpu.memory_space<hbm>>
    tpu.wait_dma2 semaphore(%arg19 : memref<!tpu.dma_semaphore, #tpu.memory_space<semaphore_mem>>) src(%arg11 : memref<128x128xf32, #tpu.memory_space<vmem>>) dst(%dma_wait3A_637 : memref<128x128xf32, #tpu.memory_space<hbm>>)
    %add3A_638 = arith.constant 1920 : i32
    %add3A_639 = arith.addi %mul3A_2, %add3A_638 : i32
    %dma_start3A_640 = arith.constant 0 : i32
    %dma_start3A_641 = tpu.memref_slice %arg2[%add3A_639, %dma_start3A_640] : memref<65536x256xf32, #tpu.memory_space<hbm>> -> memref<128x256xf32, #tpu.memory_space<hbm>>
    %dma_start3A_642 = arith.constant 0 : i32
    %dma_start3A_643 = tpu.memref_slice %arg2[%add3A_639, %dma_start3A_642] : memref<65536x256xf32, #tpu.memory_space<hbm>> -> memref<128x256xf32, #tpu.memory_space<hbm>>
    tpu.enqueue_dma source(%dma_start3A_643 : memref<128x256xf32, #tpu.memory_space<hbm>>) target(%arg9 : memref<128x256xf32, #tpu.memory_space<vmem>>) target_semaphore(%arg13 : memref<!tpu.dma_semaphore, #tpu.memory_space<semaphore_mem>>)
    %dma_start3A_644 = arith.constant 15 : i32
    %dma_start3A_645 = arith.constant 0 : i32
    %dma_start3A_646 = tpu.memref_slice %arg6[%dma_start3A_644, %dma_start3A_645] : memref<16x128xi32, #tpu.memory_space<vmem>> -> memref<1x128xi32, #tpu.memory_space<vmem>>
    %dma_start3A_647 = tpu.memref_squeeze %dma_start3A_646 : memref<1x128xi32, #tpu.memory_space<vmem>> -> memref<128xi32, #tpu.memory_space<vmem>>
    %dma_start3A_648 = arith.constant 0 : i32
    %dma_start3A_649 = arith.constant 0 : i32
    %dma_start3A_650 = tpu.memref_slice %arg7[%dma_start3A_648, %dma_start3A_649] : memref<1000x128xf32, #tpu.memory_space<vmem_shared>> -> memref<1000x128xf32, #tpu.memory_space<vmem_shared>>
    tpu.enqueue_indirect_dma source(%dma_start3A_650 : memref<1000x128xf32, #tpu.memory_space<vmem_shared>>) target(%arg11 : memref<128x128xf32, #tpu.memory_space<vmem>>) offsets(%dma_start3A_647 : memref<128xi32, #tpu.memory_space<vmem>>) semaphore(%arg15 : memref<!tpu.dma_semaphore, #tpu.memory_space<semaphore_mem>>)
    %dma_wait3A_651 = arith.constant 14 : i32
    %dma_wait3A_652 = arith.constant 0 : i32
    %dma_wait3A_653 = tpu.memref_slice %arg6[%dma_wait3A_651, %dma_wait3A_652] : memref<16x128xi32, #tpu.memory_space<vmem>> -> memref<1x128xi32, #tpu.memory_space<vmem>>
    %dma_wait3A_654 = tpu.memref_squeeze %dma_wait3A_653 : memref<1x128xi32, #tpu.memory_space<vmem>> -> memref<128xi32, #tpu.memory_space<vmem>>
    %dma_wait3A_655 = arith.constant 0 : i32
    %dma_wait3A_656 = arith.constant 0 : i32
    %dma_wait3A_657 = tpu.memref_slice %arg7[%dma_wait3A_655, %dma_wait3A_656] : memref<1000x128xf32, #tpu.memory_space<vmem_shared>> -> memref<1000x128xf32, #tpu.memory_space<vmem_shared>>
    tpu.wait_indirect_dma semaphore(%arg14 : memref<!tpu.dma_semaphore, #tpu.memory_space<semaphore_mem>>) src(%dma_wait3A_657 : memref<1000x128xf32, #tpu.memory_space<vmem_shared>>) dst(%arg10 : memref<128x128xf32, #tpu.memory_space<vmem>>)
    %add3A_658 = arith.constant 1792 : i32
    %add3A_659 = arith.addi %mul3A_2, %add3A_658 : i32
    %dma_start3A_660 = arith.constant 256 : i32
    %dma_start3A_661 = tpu.memref_slice %arg5[%add3A_659, %dma_start3A_660] : memref<65536x384xf32, #tpu.memory_space<hbm>> -> memref<128x128xf32, #tpu.memory_space<hbm>>
    %dma_start3A_662 = arith.constant 256 : i32
    %dma_start3A_663 = tpu.memref_slice %arg5[%add3A_659, %dma_start3A_662] : memref<65536x384xf32, #tpu.memory_space<hbm>> -> memref<128x128xf32, #tpu.memory_space<hbm>>
    tpu.enqueue_dma source(%arg10 : memref<128x128xf32, #tpu.memory_space<vmem>>) target(%dma_start3A_663 : memref<128x128xf32, #tpu.memory_space<hbm>>) target_semaphore(%arg18 : memref<!tpu.dma_semaphore, #tpu.memory_space<semaphore_mem>>)
    %dma_wait3A_664 = arith.constant 0 : i32
    %dma_wait3A_665 = tpu.memref_slice %arg2[%add3A_595, %dma_wait3A_664] : memref<65536x256xf32, #tpu.memory_space<hbm>> -> memref<128x256xf32, #tpu.memory_space<hbm>>
    %dma_wait3A_666 = arith.constant 0 : i32
    %dma_wait3A_667 = tpu.memref_slice %arg2[%add3A_595, %dma_wait3A_666] : memref<65536x256xf32, #tpu.memory_space<hbm>> -> memref<128x256xf32, #tpu.memory_space<hbm>>
    tpu.wait_dma2 semaphore(%arg12 : memref<!tpu.dma_semaphore, #tpu.memory_space<semaphore_mem>>) src(%dma_wait3A_667 : memref<128x256xf32, #tpu.memory_space<hbm>>) dst(%arg8 : memref<128x256xf32, #tpu.memory_space<vmem>>)
    %add3A_668 = arith.constant 1792 : i32
    %add3A_669 = arith.addi %mul3A_2, %add3A_668 : i32
    %dma_start3A_670 = arith.constant 0 : i32
    %dma_start3A_671 = tpu.memref_slice %arg5[%add3A_669, %dma_start3A_670] : memref<65536x384xf32, #tpu.memory_space<hbm>> -> memref<128x256xf32, #tpu.memory_space<hbm>>
    %dma_start3A_672 = arith.constant 0 : i32
    %dma_start3A_673 = tpu.memref_slice %arg5[%add3A_669, %dma_start3A_672] : memref<65536x384xf32, #tpu.memory_space<hbm>> -> memref<128x256xf32, #tpu.memory_space<hbm>>
    tpu.enqueue_dma source(%arg8 : memref<128x256xf32, #tpu.memory_space<vmem>>) target(%dma_start3A_673 : memref<128x256xf32, #tpu.memory_space<hbm>>) target_semaphore(%arg16 : memref<!tpu.dma_semaphore, #tpu.memory_space<semaphore_mem>>)
    %dma_wait3A_674 = arith.constant 15 : i32
    %dma_wait3A_675 = arith.constant 0 : i32
    %dma_wait3A_676 = tpu.memref_slice %arg6[%dma_wait3A_674, %dma_wait3A_675] : memref<16x128xi32, #tpu.memory_space<vmem>> -> memref<1x128xi32, #tpu.memory_space<vmem>>
    %dma_wait3A_677 = tpu.memref_squeeze %dma_wait3A_676 : memref<1x128xi32, #tpu.memory_space<vmem>> -> memref<128xi32, #tpu.memory_space<vmem>>
    %dma_wait3A_678 = arith.constant 0 : i32
    %dma_wait3A_679 = arith.constant 0 : i32
    %dma_wait3A_680 = tpu.memref_slice %arg7[%dma_wait3A_678, %dma_wait3A_679] : memref<1000x128xf32, #tpu.memory_space<vmem_shared>> -> memref<1000x128xf32, #tpu.memory_space<vmem_shared>>
    tpu.wait_indirect_dma semaphore(%arg15 : memref<!tpu.dma_semaphore, #tpu.memory_space<semaphore_mem>>) src(%dma_wait3A_680 : memref<1000x128xf32, #tpu.memory_space<vmem_shared>>) dst(%arg11 : memref<128x128xf32, #tpu.memory_space<vmem>>)
    %add3A_681 = arith.constant 1920 : i32
    %add3A_682 = arith.addi %mul3A_2, %add3A_681 : i32
    %dma_start3A_683 = arith.constant 256 : i32
    %dma_start3A_684 = tpu.memref_slice %arg5[%add3A_682, %dma_start3A_683] : memref<65536x384xf32, #tpu.memory_space<hbm>> -> memref<128x128xf32, #tpu.memory_space<hbm>>
    %dma_start3A_685 = arith.constant 256 : i32
    %dma_start3A_686 = tpu.memref_slice %arg5[%add3A_682, %dma_start3A_685] : memref<65536x384xf32, #tpu.memory_space<hbm>> -> memref<128x128xf32, #tpu.memory_space<hbm>>
    tpu.enqueue_dma source(%arg11 : memref<128x128xf32, #tpu.memory_space<vmem>>) target(%dma_start3A_686 : memref<128x128xf32, #tpu.memory_space<hbm>>) target_semaphore(%arg19 : memref<!tpu.dma_semaphore, #tpu.memory_space<semaphore_mem>>)
    %dma_wait3A_687 = arith.constant 0 : i32
    %dma_wait3A_688 = tpu.memref_slice %arg2[%add3A_639, %dma_wait3A_687] : memref<65536x256xf32, #tpu.memory_space<hbm>> -> memref<128x256xf32, #tpu.memory_space<hbm>>
    %dma_wait3A_689 = arith.constant 0 : i32
    %dma_wait3A_690 = tpu.memref_slice %arg2[%add3A_639, %dma_wait3A_689] : memref<65536x256xf32, #tpu.memory_space<hbm>> -> memref<128x256xf32, #tpu.memory_space<hbm>>
    tpu.wait_dma2 semaphore(%arg13 : memref<!tpu.dma_semaphore, #tpu.memory_space<semaphore_mem>>) src(%dma_wait3A_690 : memref<128x256xf32, #tpu.memory_space<hbm>>) dst(%arg9 : memref<128x256xf32, #tpu.memory_space<vmem>>)
    %add3A_691 = arith.constant 1920 : i32
    %add3A_692 = arith.addi %mul3A_2, %add3A_691 : i32
    %dma_start3A_693 = arith.constant 0 : i32
    %dma_start3A_694 = tpu.memref_slice %arg5[%add3A_692, %dma_start3A_693] : memref<65536x384xf32, #tpu.memory_space<hbm>> -> memref<128x256xf32, #tpu.memory_space<hbm>>
    %dma_start3A_695 = arith.constant 0 : i32
    %dma_start3A_696 = tpu.memref_slice %arg5[%add3A_692, %dma_start3A_695] : memref<65536x384xf32, #tpu.memory_space<hbm>> -> memref<128x256xf32, #tpu.memory_space<hbm>>
    tpu.enqueue_dma source(%arg9 : memref<128x256xf32, #tpu.memory_space<vmem>>) target(%dma_start3A_696 : memref<128x256xf32, #tpu.memory_space<hbm>>) target_semaphore(%arg17 : memref<!tpu.dma_semaphore, #tpu.memory_space<semaphore_mem>>)
    %dma_wait3A_697 = arith.constant 0 : i32
    %dma_wait3A_698 = tpu.memref_slice %arg5[%add3A_669, %dma_wait3A_697] : memref<65536x384xf32, #tpu.memory_space<hbm>> -> memref<128x256xf32, #tpu.memory_space<hbm>>
    %dma_wait3A_699 = arith.constant 0 : i32
    %dma_wait3A_700 = tpu.memref_slice %arg5[%add3A_669, %dma_wait3A_699] : memref<65536x384xf32, #tpu.memory_space<hbm>> -> memref<128x256xf32, #tpu.memory_space<hbm>>
    tpu.wait_dma2 semaphore(%arg16 : memref<!tpu.dma_semaphore, #tpu.memory_space<semaphore_mem>>) src(%arg8 : memref<128x256xf32, #tpu.memory_space<vmem>>) dst(%dma_wait3A_700 : memref<128x256xf32, #tpu.memory_space<hbm>>)
    %dma_wait3A_701 = arith.constant 256 : i32
    %dma_wait3A_702 = tpu.memref_slice %arg5[%add3A_659, %dma_wait3A_701] : memref<65536x384xf32, #tpu.memory_space<hbm>> -> memref<128x128xf32, #tpu.memory_space<hbm>>
    %dma_wait3A_703 = arith.constant 256 : i32
    %dma_wait3A_704 = tpu.memref_slice %arg5[%add3A_659, %dma_wait3A_703] : memref<65536x384xf32, #tpu.memory_space<hbm>> -> memref<128x128xf32, #tpu.memory_space<hbm>>
    tpu.wait_dma2 semaphore(%arg18 : memref<!tpu.dma_semaphore, #tpu.memory_space<semaphore_mem>>) src(%arg10 : memref<128x128xf32, #tpu.memory_space<vmem>>) dst(%dma_wait3A_704 : memref<128x128xf32, #tpu.memory_space<hbm>>)
    %dma_wait3A_705 = arith.constant 0 : i32
    %dma_wait3A_706 = tpu.memref_slice %arg5[%add3A_692, %dma_wait3A_705] : memref<65536x384xf32, #tpu.memory_space<hbm>> -> memref<128x256xf32, #tpu.memory_space<hbm>>
    %dma_wait3A_707 = arith.constant 0 : i32
    %dma_wait3A_708 = tpu.memref_slice %arg5[%add3A_692, %dma_wait3A_707] : memref<65536x384xf32, #tpu.memory_space<hbm>> -> memref<128x256xf32, #tpu.memory_space<hbm>>
    tpu.wait_dma2 semaphore(%arg17 : memref<!tpu.dma_semaphore, #tpu.memory_space<semaphore_mem>>) src(%arg9 : memref<128x256xf32, #tpu.memory_space<vmem>>) dst(%dma_wait3A_708 : memref<128x256xf32, #tpu.memory_space<hbm>>)
    %dma_wait3A_709 = arith.constant 256 : i32
    %dma_wait3A_710 = tpu.memref_slice %arg5[%add3A_682, %dma_wait3A_709] : memref<65536x384xf32, #tpu.memory_space<hbm>> -> memref<128x128xf32, #tpu.memory_space<hbm>>
    %dma_wait3A_711 = arith.constant 256 : i32
    %dma_wait3A_712 = tpu.memref_slice %arg5[%add3A_682, %dma_wait3A_711] : memref<65536x384xf32, #tpu.memory_space<hbm>> -> memref<128x128xf32, #tpu.memory_space<hbm>>
    tpu.wait_dma2 semaphore(%arg19 : memref<!tpu.dma_semaphore, #tpu.memory_space<semaphore_mem>>) src(%arg11 : memref<128x128xf32, #tpu.memory_space<vmem>>) dst(%dma_wait3A_712 : memref<128x128xf32, #tpu.memory_space<hbm>>)
    return
  }
}

</mosaic_0001>

<sc_bundles>
// kernel: _sc_embed_concat.3.cloned.1.call-start
scs
__scs_entry_jumppad:
0x0: {  	(pc) =	sbr.rel $0x88, $3  }
0x1: {  	(tag) =	ssettag $0x0;
	lr =	simm.s32 $0x1  }
0x2: {  	[smem:$0x3F9E] =	sst lr;
	_ =	strace $0xD0000000  }
0x3: {  	_ = 	snop  }
0x4: {  	_ = 	snop  }
0x5: {  	_ = 	snop  }
0x6: {  	_ = 	snop  }
0x7: {  	_ = 	snop  }
__scs_overlays_trampoline_lowered:
0x8: {  	[smem:$0x3FAD] =	sst s0  }
0x9: {  	[smem:$0x3FAE] =	sst s1  }
0xa: {  	[smem:$0x3FAF] =	sst s2  }
0xb: {  	[smem:$0x3FB0] =	sst s3  }
0xc: {  	[smem:$0x3FB1] =	sst s4  }
0xd: {  	[smem:$0x3FB2] =	sst s5  }
0xe: {  	[smem:$0x3FB3] =	sst s6  }
0xf: {  	[smem:$0x3FB4] =	sst s7  }
0x10: {  	[smem:$0x3FB5] =	sst s8  }
0x11: {  	[smem:$0x3FB6] =	sst s9;
	s0 =	simm.s32 @!p0 $0x0  }
0x12: {  	s1 =	sld [smem:$0x3F9C];
	s0 =	simm.s32 @p0 $0x1  }
0x13: {  	[smem:$0x3FB7] =	sst s0;
	s0 =	simm.s32 @!p1 $0x0  }
0x14: {  	s2 =	sld [smem:$0x3F9B];
	s0 =	simm.s32 @p1 $0x1  }
0x15: {  	[smem:$0x3FB8] =	sst s0;
	s0 =	simm.s32 @!p2 $0x0  }
0x16: {  	s3 =	sld [smem:$0x3FDB];
	s0 =	simm.s32 @p2 $0x1  }
0x17: {  	s4 =	simm.s32 $0x1BF5;
	[smem:$0x3FBA] =	sst s0  }
0x18: {  	s0 =	sld [smem:$0x3F9D];
	_ =	swait.ge [sflag:s4], $0x0  }
0x19: {  	s7 =	sld [smem:$0x3F9E]  }
0x1a: {  	s8 =	sadd.s32 $0xFFFFE003, lr  }
0x1b: {  	s9 =	sadd.s32 $0xFFFFFEF7, lr;
	s5 =	simm.s32 $0xFFFFFFFF;
	p2 =	slt.u32 s8, $0xFFFFF086  }
0x1c: {  	p1 =	slt.u32 s9, $0xF7A;
	s5 =	simm.s32 @!p2 $0x0  }
0x1d: {  	s5 =	simm.s32 @p1 $0x1;
	p0 =	seq.s32 s7, s2  }
0x1e: {  	s7 =	smul.u32 @!p0 $0xF7A, s2;
	p2 =	seq.s32 @!p0 s5, $0x0  }
0x1f: {  	s9 =	smul.u32 $0xF7A, s1;
	s8 =	simm.s32 @!p0 $0x1BF5;
	p2 =	por !p2, p0  }
0x20: {  	[sflag:s8] =	ssyncset.s32 @!p0 $0xFFFFF086;
	s6 =	sadd.s32 @!p0 s3, s7;
	s7 =	simm.s32 @!p0 $0x108  }
0x21: {  	s3 =	sadd.s32 s3, s9;
	s6 =	sadd.s32 @!p0 $0x88, s6;
	s7 =	simm.s32 @p2 $0x1082  }
0x22: {  	[simem:s7], [sflag:s8] =	dma.local @!p0 [hbm:s6], $0xF7A  }
0x23: {  	s9 =	sor.u32 $0xD0000000, s2;
	s6 =	simm.s32 $0x108;
	_ =	swait.ge @!p0 [sflag:s8], $0x0  }
0x24: {  	s3 =	sadd.s32 $0x88, s3;
	s6 =	simm.s32 @!p1 $0x1082;
	[sflag:s4] =	ssyncset.s32 $0xFFFFF086  }
0x25: {  	[simem:s6], [sflag:s4] =	dma.local [hbm:s3], $0xF7A  }
0x26: {  	[smem:$0x3F9E] =	sst s1;
	(tag) =	ssettag s2;
	_ =	strace s9  }
0x27: {  	s1 =	sld [smem:$0x3FAE]  }
0x28: {  	s2 =	sld [smem:$0x3FAF]  }
0x29: {  	s4 =	sld [smem:$0x3FB1]  }
0x2a: {  	p0 =	seq.s32 s5, $0x0;
	s5 =	sld [smem:$0x3FB2]  }
0x2b: {  	s6 =	sld [smem:$0x3FB3]  }
0x2c: {  	s7 =	sld [smem:$0x3FB4]  }
0x2d: {  	s3 =	simm.s32 $0x108;
	s8 =	sld [smem:$0x3FB5]  }
0x2e: {  	s3 =	simm.s32 @!p0 $0x1082;
	s9 =	sld [smem:$0x3FB6]  }
0x2f: {  	lr =	sadd.s32 s0, s3;
	s0 =	sld [smem:$0x3FAD]  }
0x30: {  	s3 =	sld [smem:$0x3FB0]  }
0x31: {  	[smem:$0x3FB9] =	sst s10  }
0x32: {  	s10 =	sld [smem:$0x3FB7];
	_ =	sdelay $0x3  }
0x33: {  	p0 =	seq.s32 s10, $0x1;
	s10 =	sld [smem:$0x3FB9];
	_ =	sdelay $0x3  }
0x34: {  	[smem:$0x3FB9] =	sst s10  }
0x35: {  	s10 =	sld [smem:$0x3FB8];
	_ =	sdelay $0x3  }
0x36: {  	p1 =	seq.s32 s10, $0x1;
	s10 =	sld [smem:$0x3FB9];
	_ =	sdelay $0x3  }
0x37: {  	[smem:$0x3FB9] =	sst s10  }
0x38: {  	s10 =	sld [smem:$0x3FBA]  }
0x39: {  	_ = 	snop;
	(pc) =	sbr.ind lr, $3  }
0x3a: {  	_ = 	snop  }
0x3b: {  	_ = 	snop  }
0x3c: {  	p2 =	seq.s32 s10, $0x1;
	s10 =	sld [smem:$0x3FB9]  }
0x3d: {  	_ =	shalt  }
0x3e: {  	_ =	shalt  }
0x3f: {  	_ =	shalt  }
0x40: {  	_ =	shalt  }
0x41: {  	_ =	shalt  }
0x42: {  	_ =	shalt  }
0x43: {  	_ =	shalt  }
0x44: {  	_ =	shalt  }
0x45: {  	_ =	shalt  }
0x46: {  	_ =	shalt  }
0x47: {  	_ =	shalt  }
0x48: {  	_ =	shalt  }
0x49: {  	_ =	shalt  }
0x4a: {  	_ =	shalt  }
0x4b: {  	_ =	shalt  }
0x4c: {  	_ =	shalt  }
0x4d: {  	_ =	shalt  }
0x4e: {  	_ =	shalt  }
0x4f: {  	_ =	shalt  }
0x50: {  	_ =	shalt  }
0x51: {  	_ =	shalt  }
0x52: {  	_ =	shalt  }
0x53: {  	_ =	shalt  }
0x54: {  	_ =	shalt  }
0x55: {  	_ =	shalt  }
0x56: {  	_ =	shalt  }
0x57: {  	_ =	shalt  }
0x58: {  	_ =	shalt  }
0x59: {  	_ =	shalt  }
0x5a: {  	_ =	shalt  }
0x5b: {  	_ =	shalt  }
0x5c: {  	_ =	shalt  }
0x5d: {  	_ =	shalt  }
0x5e: {  	_ =	shalt  }
0x5f: {  	_ =	shalt  }
0x60: {  	_ =	shalt  }
0x61: {  	_ =	shalt  }
0x62: {  	_ =	shalt  }
0x63: {  	_ =	shalt  }
0x64: {  	_ =	shalt  }
0x65: {  	_ =	shalt  }
0x66: {  	_ =	shalt  }
0x67: {  	_ =	shalt  }
0x68: {  	_ =	shalt  }
0x69: {  	_ =	shalt  }
0x6a: {  	_ =	shalt  }
0x6b: {  	_ =	shalt  }
0x6c: {  	_ =	shalt  }
0x6d: {  	_ =	shalt  }
0x6e: {  	_ =	shalt  }
0x6f: {  	_ =	shalt  }
0x70: {  	_ =	shalt  }
0x71: {  	_ =	shalt  }
0x72: {  	_ =	shalt  }
0x73: {  	_ =	shalt  }
0x74: {  	_ =	shalt  }
0x75: {  	_ =	shalt  }
0x76: {  	_ =	shalt  }
0x77: {  	_ =	shalt  }
0x78: {  	_ =	shalt  }
0x79: {  	_ =	shalt  }
0x7a: {  	_ =	shalt  }
0x7b: {  	_ =	shalt  }
0x7c: {  	_ =	shalt  }
0x7d: {  	_ =	shalt  }
0x7e: {  	_ =	shalt  }
0x7f: {  	_ =	shalt  }
0x80: {  	_ =	shalt  }
0x81: {  	_ =	shalt  }
0x82: {  	_ =	shalt  }
0x83: {  	_ =	shalt  }
0x84: {  	_ =	shalt  }
0x85: {  	_ =	shalt  }
0x86: {  	_ =	shalt  }
0x87: {  	_ =	shalt  }
.Lfunc_end0:
.L_simem_size_0:
called_computation_lowered:
.L_overlay_start_0:
0x88: {  	s2 =	sld [smem:$0x3FD9]  }
0x89: {  	s3 =	sld [smem:$0x3FFE];
	_ =	sdelay $0x1  }
0x8a: {  	s1 =	srdreg.scid  }
0x8b: {  	s0 =	sand.u32 $0x1, s1  }
0x8c: {  	s18 =	sshll.u32 s0, $0xA;
	s2 =	sadd.s32 s3, s2  }
0x8d: {  	s2 =	sadd.s32 s2, s18  }
0x8e: {  	[smem:$0x3FC5] =	sst s2  }
0x8f: {  	_ = 	snop  }
0x90: {  	s2 =	sld [smem:$0x3FC9]  }
0x91: {  	s19 =	sld [smem:$0x3FC8]  }
0x92: {  	s4 =	sld [smem:$0x3FC7]  }
0x93: {  	s5 =	sld [smem:$0x3FD0];
	(tm) =	ssettm $0x1  }
0x94: {  	s6 =	sld [smem:$0x3FFB];
	_ =	sdelay $0x3  }
0x95: {  	_ =	strace s6  }
0x96: {  	s6 =	sld [smem:$0x3FFC];
	_ =	sdelay $0x3  }
0x97: {  	_ =	strace s6  }
0x98: {  	s6 =	sld [smem:$0x3FFD];
	_ =	sdelay $0x3  }
0x99: {  	_ =	strace s6  }
0x9a: {  	_ =	strace $0x8FFFFFFF  }
0x9b: {  	s20 =	sld [smem:$0x3FDB];
	_ =	sdelay $0x1  }
0x9c: {  	s7 =	simm.s32 $_scs_section_size  }
0x9d: {  	s8 =	simm.s32 $_size__tile_overlayer_lowered;
	s9 =	simm.s32 $_tile_overlayer_lowered  }
0x9e: {  	s23 =	simm.s32 $0x1BFF;
	s22 =	sshll.u32 s9, $0x1;
	s6 =	sadd.s32 s7, s20  }
0x9f: {  	s10 =	simm.s32 $0x0;
	s21 =	sshll.u32 s8, $0x1;
	s8 =	sadd.s32 s22, s6  }
0xa0: {  	[timem:s10], [sflag:s23] =	dma.local [hbm:s8], s21  }
0xa1: {  	_ =	swait.ge [sflag:s23], s21  }
0xa2: {  	s7 =	ssub.s32 $0x0, s21;
	[sflag:s23] =	ssyncset.done $0x0  }
0xa3: {  	[sflag:s23] =	ssyncadd.s32 s7;
	_ =	sdelay $0x1  }
0xa4: {  	s24 =	simm.s32 $0x1B8B  }
0xa5: {  	_ =	swait.ge [sflag:s24], $0x1  }
0xa6: {  	[sflag:s24] =	ssyncset.done $0x0  }
0xa7: {  	s25 =	simm.s32 $0x1B8E;
	[sflag:s24] =	ssyncadd.s32 $0xFFFFFFFF  }
0xa8: {  	s26 =	simm.s32 $execute0_lowered;
	[smem:$0x3FD2] =	sst s25  }
0xa9: {  	s7 =	sshll.u32 s26, $0x1;
	_ =	strace $0x80000046;
	[dreg:$0x1] =	wrdreg $0xFFFFFFFF  }
0xaa: {  	s28 =	simm.s32 $_size_execute0_lowered;
	s6 =	sadd.s32 s6, s7;
	[dreg:$0x0] =	wrdreg $0x0  }
0xab: {  	s7 =	sshll.u32 s28, $0x1;
	[dreg:$0x2] =	wrdreg s6  }
0xac: {  	[dreg:$0x3] =	wrdreg s7  }
0xad: {  	[dreg:$0x4] =	wrdreg $0xC0  }
0xae: {  	_ =	task [dreg:s10], $0x5FFFF  }
0xaf: {  	[dreg:$0x1] =	wrdreg $0xFFFFFFFF  }
0xb0: {  	[dreg:$0x0] =	wrdreg $0x60  }
0xb1: {  	[dreg:$0x2] =	wrdreg s2  }
0xb2: {  	[dreg:$0x3] =	wrdreg s19  }
0xb3: {  	[dreg:$0x4] =	wrdreg s4  }
0xb4: {  	[dreg:$0x5] =	wrdreg s5  }
0xb5: {  	[dreg:$0x6] =	wrdreg $0x8000  }
0xb6: {  	[dreg:$0x7] =	wrdreg $0x9  }
0xb7: {  	_ =	task.clear_ibuf [dreg:s10], $0x8FFFF;
	_ =	strace $0x90000046  }
0xb8: {  	s29 =	simm.s32 $0x9;
	_ =	strace $0x80000048  }
0xb9: {  	_ =	swait.ge [sflag:s29], $0x1  }
0xba: {  	[sflag:s29] =	ssyncadd.s32 $0xFFFFFFFF  }
0xbb: {  	_ =	strace $0x90000048  }
0xbc: {  	_ =	sfence  }
0xbd: {  	s30 =	sld [smem:$0x0];
	_ =	sdelay $0x2  }
0xbe: {  	s31 =	sshll.u32 s1, $0xD;
	s1 =	sshrl.u32 s1, $0x2  }
0xbf: {  	s3 =	sand.u32 $0x4000, s31;
	s1 =	sadd.s32 s1, s30  }
0xc0: {  	s0 =	sor.u32 s3, s0;
	s1 =	sshll.u32 s1, $0x11  }
0xc1: {  	s0 =	sor.u32 s1, s0  }
0xc2: {  	s0 =	sadd.s32 $0x8F2B, s0  }
0xc3: {  	[sflag:s0] =	ssyncadd.remote.s32 $0x1  }
0xc4: {  	_ =	sfence.sel $0xFFFF  }
0xc5: {  	[dreg:$0x0] =	wrdreg $0xFFFFFFFF;
	(pc) =	sbr.abs _section_cstart, $3  }
0xc6: {  	[dreg:$0x1] =	wrdreg $0xFFFFFFFF  }
0xc7: {  	_ =	task.clear_ibuf [dreg:s10], $0x2FFFF;
	_ =	strace $0x9FFFFFFF  }
0xc8: {  	(tm) =	ssettm $0x7FFFFFFF  }
0xc9: {  	_ =	shalt  }
tec
execute0_lowered:
.L_overlay_start_1:
0x0: {  	(tag) =	ssettag $0x1  }
0x1: {  	s5 =	rddreg [dreg:$0x0]  }
0x2: {  	s6 =	rddreg [dreg:$0x1]  }
0x3: {  	s7 =	rddreg [dreg:$0x2]  }
0x4: {  	s4 =	rddreg [dreg:$0x3]  }
0x5: {  	s1 =	srdreg.scid;
	s0 =	stileid.u32  }
0x6: {  	s2 =	rddreg [dreg:$0x4];
	s3 =	simm.s32 $0x0;
	s31 =	sand.u32 $0x1, s1  }
0x7: {  	s8 =	sshll.u32 s0, $0x1;
	[smem:$0x7FF] =	sst s3;
	s10 =	sshll.u32 s0, $0xA  }
0x8: {  	s23 =	sadd.s32 $0x3C00, s7;
	s8 =	sor.u32 s31, s8;
	_ =	strace $0x80000047  }
0x9: {  	s22 =	sadd.s32 s7, s10;
	[dreg:$0x8] =	wrdreg s23;
	s9 =	sshll.u32 s8, $0x10  }
0xa: {  	[dreg:$0x7] =	wrdreg s22;
	s7 =	sshll.u32 s8, $0x8;
	s8 =	smul.u32 $0x18000, s8  }
0xb: {  	s9 =	sadd.s32 s5, s9;
	s24 =	sor.u32 $0x10, s7;
	s6 =	sadd.s32 s6, s7  }
0xc: {  	s1 =	sor.u32 $0x20, s7;
	s14 =	sor.u32 $0x30, s7;
	s18 =	sor.u32 $0x40, s7  }
0xd: {  	s22 =	sor.u32 $0x50, s7;
	[dreg:$0x6] =	wrdreg s9;
	s25 =	sshll.u32 s24, $0x8  }
0xe: {  	[dreg:$0x9] =	wrdreg s6;
	s6 =	sadd.s32 $0x100, s4;
	s10 =	sadd.s32 s5, s25  }
0xf: {  	s11 =	sshll.u32 s1, $0x8;
	s26 =	sadd.s32 s8, s6;
	[dreg:$0xa] =	wrdreg s10  }
0x10: {  	s9 =	smul.u32 $0x180, s24;
	s8 =	sadd.s32 s4, s8;
	[dreg:$0xb] =	wrdreg s26  }
0x11: {  	s15 =	sshll.u32 s14, $0x8;
	s12 =	sadd.s32 s5, s11;
	[dreg:$0xc] =	wrdreg s8  }
0x12: {  	s19 =	sshll.u32 s18, $0x8;
	s16 =	sadd.s32 s5, s15;
	[dreg:$0xd] =	wrdreg s12  }
0x13: {  	s23 =	sshll.u32 s22, $0x8;
	s20 =	sadd.s32 s5, s19;
	[dreg:$0x10] =	wrdreg s16  }
0x14: {  	s24 =	sadd.s32 s5, s23;
	[dreg:$0x13] =	wrdreg s20  }
0x15: {  	s13 =	sadd.s32 s9, s6;
	s10 =	smul.u32 $0x180, s1;
	[dreg:$0x16] =	wrdreg s24  }
0x16: {  	s9 =	sadd.s32 s4, s9;
	[dreg:$0xe] =	wrdreg s13  }
0x17: {  	s8 =	smul.u32 $0x180, s14;
	[dreg:$0xf] =	wrdreg s9;
	s17 =	sadd.s32 s10, s6  }
0x18: {  	s26 =	sor.u32 $0x60, s7;
	s10 =	sadd.s32 s4, s10;
	[dreg:$0x11] =	wrdreg s17  }
0x19: {  	s9 =	smul.u32 $0x180, s18;
	s21 =	sadd.s32 s8, s6;
	[dreg:$0x12] =	wrdreg s10  }
0x1a: {  	s1 =	sshll.u32 s26, $0x8;
	s8 =	sadd.s32 s4, s8;
	[dreg:$0x14] =	wrdreg s21  }
0x1b: {  	s13 =	sor.u32 $0x70, s7;
	s11 =	sadd.s32 s5, s1;
	[dreg:$0x15] =	wrdreg s8  }
0x1c: {  	s14 =	sshll.u32 s13, $0x8;
	s25 =	sadd.s32 s9, s6;
	[dreg:$0x19] =	wrdreg s11  }
0x1d: {  	s9 =	sadd.s32 s4, s9;
	s10 =	smul.u32 $0x180, s22;
	[dreg:$0x17] =	wrdreg s25  }
0x1e: {  	s8 =	smul.u32 $0x180, s26;
	s15 =	sadd.s32 s5, s14;
	[dreg:$0x18] =	wrdreg s9  }
0x1f: {  	s17 =	sor.u32 $0x80, s7;
	[dreg:$0x1c] =	wrdreg s15;
	s12 =	sadd.s32 s10, s6  }
0x20: {  	s21 =	sor.u32 $0x90, s7;
	s10 =	sadd.s32 s4, s10;
	[dreg:$0x1a] =	wrdreg s12  }
0x21: {  	s18 =	sshll.u32 s17, $0x8;
	s16 =	sadd.s32 s8, s6;
	[dreg:$0x1b] =	wrdreg s10  }
0x22: {  	s9 =	smul.u32 $0x180, s13;
	s8 =	sadd.s32 s4, s8;
	[dreg:$0x1d] =	wrdreg s16  }
0x23: {  	s22 =	sshll.u32 s21, $0x8;
	s19 =	sadd.s32 s5, s18;
	[dreg:$0x1e] =	wrdreg s8  }
0x24: {  	s25 =	sor.u32 $0xA0, s7;
	s23 =	sadd.s32 s5, s22;
	[dreg:$0x1f] =	wrdreg s19  }
0x25: {  	s26 =	sshll.u32 s25, $0x8;
	s20 =	sadd.s32 s9, s6;
	[smem:$0x7E5] =	sst s23  }
0x26: {  	s9 =	sadd.s32 s4, s9;
	s10 =	smul.u32 $0x180, s17;
	[smem:$0x7E3] =	sst s20  }
0x27: {  	s1 =	sadd.s32 s5, s26;
	[smem:$0x7E4] =	sst s9  }
0x28: {  	s8 =	smul.u32 $0x180, s21;
	[smem:$0x7E9] =	sst s1;
	s24 =	sadd.s32 s10, s6  }
0x29: {  	s12 =	sor.u32 $0xB0, s7;
	s10 =	sadd.s32 s4, s10;
	[smem:$0x7E7] =	sst s24  }
0x2a: {  	s16 =	sor.u32 $0xC0, s7;
	s11 =	sadd.s32 s8, s6;
	[smem:$0x7E8] =	sst s10  }
0x2b: {  	s13 =	sshll.u32 s12, $0x8;
	s8 =	sadd.s32 s4, s8;
	[smem:$0x7EB] =	sst s11  }
0x2c: {  	s17 =	sshll.u32 s16, $0x8;
	s14 =	sadd.s32 s5, s13;
	[smem:$0x7EC] =	sst s8  }
0x2d: {  	s9 =	smul.u32 $0x180, s25;
	s18 =	sadd.s32 s5, s17;
	[smem:$0x7ED] =	sst s14  }
0x2e: {  	s17 =	simm.s32 $0x180;
	[smem:$0x7F0] =	sst s18  }
0x2f: {  	s20 =	sor.u32 $0xD0, s7;
	s15 =	sadd.s32 s9, s6;
	[smem:$0x7DE] =	sst s17  }
0x30: {  	s21 =	sshll.u32 s20, $0x8;
	s9 =	sadd.s32 s4, s9;
	[smem:$0x7EE] =	sst s15  }
0x31: {  	s22 =	sadd.s32 s5, s21;
	[smem:$0x7EF] =	sst s9  }
0x32: {  	s8 =	smul.u32 $0x180, s16;
	s16 =	simm.s32 $0x100;
	[smem:$0x7F3] =	sst s22  }
0x33: {  	s18 =	simm.s32 $0x200;
	[smem:$0x7DD] =	sst s16  }
0x34: {  	s10 =	smul.u32 $0x180, s12;
	s21 =	simm.s32 $0x380;
	[smem:$0x7DF] =	sst s18  }
0x35: {  	s9 =	smul.u32 $0x180, s20;
	s20 =	simm.s32 $0x300;
	[smem:$0x7E2] =	sst s21  }
0x36: {  	s22 =	simm.s32 $0x480;
	[smem:$0x7E1] =	sst s20  }
0x37: {  	s19 =	sadd.s32 s10, s6;
	[smem:$0x7E6] =	sst s22  }
0x38: {  	s24 =	sor.u32 $0xE0, s7;
	s10 =	sadd.s32 s4, s10;
	[smem:$0x7F1] =	sst s19  }
0x39: {  	s7 =	sor.u32 $0xF0, s7;
	s23 =	sadd.s32 s8, s6;
	[smem:$0x7F2] =	sst s10  }
0x3a: {  	s25 =	sshll.u32 s24, $0x8;
	s8 =	sadd.s32 s4, s8;
	[smem:$0x7F4] =	sst s23  }
0x3b: {  	s11 =	sshll.u32 s7, $0x8;
	s26 =	sadd.s32 s5, s25;
	[smem:$0x7F5] =	sst s8  }
0x3c: {  	s5 =	sadd.s32 s5, s11;
	[smem:$0x7F6] =	sst s26  }
0x3d: {  	[smem:$0x7F9] =	sst s5  }
0x3e: {  	s7 =	smul.u32 $0x180, s7;
	s1 =	sadd.s32 s9, s6;
	s23 =	rddreg [dreg:$0x6]  }
0x3f: {  	s9 =	sadd.s32 s4, s9;
	[smem:$0x7F7] =	sst s1  }
0x40: {  	s15 =	sadd.s32 s7, s6;
	[smem:$0x7F8] =	sst s9  }
0x41: {  	s10 =	smul.u32 $0x180, s24;
	s19 =	simm.s32 $0x280;
	[smem:$0x7FC] =	sst s15  }
0x42: {  	s24 =	simm.s32 $0x500;
	[smem:$0x7E0] =	sst s19  }
0x43: {  	[smem:$0x7EA] =	sst s24;
	s12 =	sadd.s32 s10, s6  }
0x44: {  	s14 =	sadd.s32 s4, s10;
	[smem:$0x7FA] =	sst s12  }
0x45: {  	s4 =	sadd.s32 s4, s7;
	[smem:$0x7FB] =	sst s14  }
0x46: {  	p0 =	seq.s32 s0, $0xF;
	s9 =	sadd.s32 $0x1E000, s2;
	[smem:$0x7FD] =	sst s4  }
0x47: {  	s13 =	sshll.u32 s0, $0xD;
	s4 =	sshrl.u32 @p0 s9, $0x3;
	s9 =	rddreg [dreg:$0x8]  }
0x48: {  	s5 =	sadd.s32 s13, s2;
	[smem:$0x7DB] =	sst s4  }
0x49: {  	s1 =	simm.s32 @p0 $0x1FC9;
	s4 =	sshrl.u32 @!p0 s5, $0x3;
	s7 =	sld [smem:$0x7DB]  }
0x4a: {  	s6 =	simm.s32 @p0 $0x9;
	[smem:$0x7DC] =	sst s4;
	s4 =	simm.s32 $0x2740  }
0x4b: {  	[tilespmem:s4], [sflag:$0x1] =	stream.linear.gather [hbm4b:s23+s3], $0x8000, $0x38;
	[tilespmem:$0x1A740] =	vst v63  }
0x4c: {  	[spmem:s7], [sflag:s1] =	dma.local @p0 [hbm:s9], $0x280  }
0x4d: {  	_ =	swait.ge @p0 [sflag:s6], $0x280  }
0x4e: {  	s10 =	sld [smem:$0x7DC]  }
0x4f: {  	s8 =	simm.s32 @!p0 $0x9;
	s7 =	sshll.u32 @!p0 s0, $0x6;
	[sflag:s6] =	ssyncset.done @p0 $0x0  }
0x50: {  	s7 =	sor.u32 @!p0 $0x1C09, s7;
	s9 =	rddreg [dreg:$0x7];
	[sflag:s6] =	ssyncadd.s32 @p0 $0xFFFFFD80  }
0x51: {  	[spmem:s10], [sflag:s7] =	dma.local @!p0 [hbm:s9], $0x400  }
0x52: {  	_ =	swait.ge @!p0 [sflag:s8], $0x400  }
0x53: {  	[sflag:s8] =	ssyncset.done @!p0 $0x0  }
0x54: {  	s9 =	simm.s32 $0x9;
	s25 =	rddreg [dreg:$0x9];
	[sflag:s8] =	ssyncadd.s32 @!p0 $0xFFFFFC00  }
0x55: {  	[tilespmem:s3], [sflag:$0x9] =	stream.linear.gather [hbm4b:s25+s3], $0x800, $0x38;
	[tilespmem:$0x1A740] =	vst v63  }
0x56: {  	_ =	swait.ge [sflag:s9], $0x800  }
0x57: {  	[sflag:s9] =	ssyncset.done $0x0  }
0x58: {  	[sflag:s9] =	ssyncadd.s32 $0xFFFFF800  }
0x59: {  	s11 =	simm.s32 $0x12740;
	s10 =	simm.s32 $0x80;
	[bflag:$0x0] =	sbarrier.arrive $0xFFFF  }
0x5a: {  	[tilespmem:s11], [sflag:$0x3] =	stream.indirect.gather [spmem:s2], $0x80, s3, s10, $0xb8;
	[tilespmem:$0x1A740] =	vst v63  }
0x5b: {  	s12 =	simm.s32 $0xA740;
	s13 =	rddreg [dreg:$0xa]  }
0x5c: {  	[tilespmem:s12], [sflag:$0x2] =	stream.linear.gather [hbm4b:s13+s3], $0x8000, $0x38;
	[tilespmem:$0x1A740] =	vst v63  }
0x5d: {  	s14 =	simm.s32 $0x3;
	s13 =	simm.s32 $0x16740  }
0x5e: {  	[tilespmem:s13], [sflag:$0x4] =	stream.indirect.gather [spmem:s2], $0x80, s10, s10, $0xb8;
	[tilespmem:$0x1A740] =	vst v63  }
0x5f: {  	_ =	swait.ge [sflag:s14], $0x4000  }
0x60: {  	s17 =	simm.s32 $0x1;
	s16 =	simm.s32 $0xC00;
	[sflag:s14] =	ssyncset.done $0x0  }
0x61: {  	s15 =	simm.s32 $0x400;
	s18 =	rddreg [dreg:$0xb];
	[sflag:s14] =	ssyncadd.s32 $0xFFFFC000  }
0x62: {  	[hbm4b:s18+s15] =	stream.strided.scatter [tilespmem:s11], [sflag:$0x7], $0x4000, s16, s15, $0x38;
	[tilespmem:$0x1A740] =	vst v63  }
0x63: {  	_ =	swait.ge [sflag:s17], $0x8000  }
0x64: {  	s19 =	simm.s32 $0x5;
	[sflag:s17] =	ssyncset.done $0x0  }
0x65: {  	s18 =	simm.s32 $0x800;
	s20 =	rddreg [dreg:$0xc];
	[sflag:s17] =	ssyncadd.s32 $0xFFFF8000  }
0x66: {  	[hbm4b:s20+s18] =	stream.strided.scatter [tilespmem:s4], [sflag:$0x5], $0x8000, s16, s18, $0x38;
	[tilespmem:$0x1A740] =	vst v63  }
0x67: {  	_ =	swait.ge [sflag:s19], $0x8000  }
0x68: {  	[sflag:s19] =	ssyncset.done $0x0  }
0x69: {  	s20 =	simm.s32 $0x7;
	[sflag:s19] =	ssyncadd.s32 $0xFFFF8000  }
0x6a: {  	_ =	swait.ge [sflag:s20], $0x4000  }
0x6b: {  	s21 =	rddreg [dreg:$0xd];
	[sflag:s20] =	ssyncset.done $0x0  }
0x6c: {  	s22 =	sld [smem:$0x7DD];
	[sflag:s20] =	ssyncadd.s32 $0xFFFFC000  }
0x6d: {  	[tilespmem:s4], [sflag:$0x1] =	stream.linear.gather [hbm4b:s21+s3], $0x8000, $0x38;
	[tilespmem:$0x1A740] =	vst v63  }
0x6e: {  	s21 =	simm.s32 $0x4  }
0x6f: {  	[tilespmem:s11], [sflag:$0x3] =	stream.indirect.gather [spmem:s2], $0x80, s22, s10, $0xb8;
	[tilespmem:$0x1A740] =	vst v63  }
0x70: {  	_ =	swait.ge [sflag:s21], $0x4000  }
0x71: {  	[sflag:s21] =	ssyncset.done $0x0  }
0x72: {  	s22 =	simm.s32 $0x2;
	s23 =	rddreg [dreg:$0xe];
	[sflag:s21] =	ssyncadd.s32 $0xFFFFC000  }
0x73: {  	[hbm4b:s23+s15] =	stream.strided.scatter [tilespmem:s13], [sflag:$0x8], $0x4000, s16, s15, $0x38;
	[tilespmem:$0x1A740] =	vst v63  }
0x74: {  	_ =	swait.ge [sflag:s22], $0x8000  }
0x75: {  	[sflag:s22] =	ssyncset.done $0x0  }
0x76: {  	s23 =	simm.s32 $0x6;
	s24 =	rddreg [dreg:$0xf];
	[sflag:s22] =	ssyncadd.s32 $0xFFFF8000  }
0x77: {  	[hbm4b:s24+s18] =	stream.strided.scatter [tilespmem:s12], [sflag:$0x6], $0x8000, s16, s18, $0x38;
	[tilespmem:$0x1A740] =	vst v63  }
0x78: {  	_ =	swait.ge [sflag:s23], $0x8000  }
0x79: {  	[sflag:s23] =	ssyncset.done $0x0  }
0x7a: {  	s24 =	simm.s32 $0x8;
	[sflag:s23] =	ssyncadd.s32 $0xFFFF8000  }
0x7b: {  	_ =	swait.ge [sflag:s24], $0x4000  }
0x7c: {  	s25 =	rddreg [dreg:$0x10];
	[sflag:s24] =	ssyncset.done $0x0  }
0x7d: {  	s26 =	sld [smem:$0x7DE];
	[sflag:s24] =	ssyncadd.s32 $0xFFFFC000  }
0x7e: {  	[tilespmem:s12], [sflag:$0x2] =	stream.linear.gather [hbm4b:s25+s3], $0x8000, $0x38;
	[tilespmem:$0x1A740] =	vst v63  }
0x7f: {  	_ = 	snop  }
0x80: {  	[tilespmem:s13], [sflag:$0x4] =	stream.indirect.gather [spmem:s2], $0x80, s26, s10, $0xb8;
	[tilespmem:$0x1A740] =	vst v63  }
0x81: {  	_ =	swait.ge [sflag:s14], $0x4000  }
0x82: {  	[sflag:s14] =	ssyncset.done $0x0  }
0x83: {  	s26 =	rddreg [dreg:$0x11];
	[sflag:s14] =	ssyncadd.s32 $0xFFFFC000  }
0x84: {  	[hbm4b:s26+s15] =	stream.strided.scatter [tilespmem:s11], [sflag:$0x7], $0x4000, s16, s15, $0x38;
	[tilespmem:$0x1A740] =	vst v63  }
0x85: {  	_ =	swait.ge [sflag:s17], $0x8000  }
0x86: {  	[sflag:s17] =	ssyncset.done $0x0  }
0x87: {  	s0 =	rddreg [dreg:$0x12];
	[sflag:s17] =	ssyncadd.s32 $0xFFFF8000  }
0x88: {  	[hbm4b:s0+s18] =	stream.strided.scatter [tilespmem:s4], [sflag:$0x5], $0x8000, s16, s18, $0x38;
	[tilespmem:$0x1A740] =	vst v63  }
0x89: {  	_ =	swait.ge [sflag:s19], $0x8000  }
0x8a: {  	[sflag:s19] =	ssyncset.done $0x0  }
0x8b: {  	[sflag:s19] =	ssyncadd.s32 $0xFFFF8000  }
0x8c: {  	_ =	swait.ge [sflag:s20], $0x4000  }
0x8d: {  	s1 =	rddreg [dreg:$0x13];
	[sflag:s20] =	ssyncset.done $0x0  }
0x8e: {  	s5 =	sld [smem:$0x7DF];
	[sflag:s20] =	ssyncadd.s32 $0xFFFFC000  }
0x8f: {  	[tilespmem:s4], [sflag:$0x1] =	stream.linear.gather [hbm4b:s1+s3], $0x8000, $0x38;
	[tilespmem:$0x1A740] =	vst v63  }
0x90: {  	_ = 	snop  }
0x91: {  	[tilespmem:s11], [sflag:$0x3] =	stream.indirect.gather [spmem:s2], $0x80, s5, s10, $0xb8;
	[tilespmem:$0x1A740] =	vst v63  }
0x92: {  	_ =	swait.ge [sflag:s21], $0x4000  }
0x93: {  	[sflag:s21] =	ssyncset.done $0x0  }
0x94: {  	s26 =	rddreg [dreg:$0x14];
	[sflag:s21] =	ssyncadd.s32 $0xFFFFC000  }
0x95: {  	[hbm4b:s26+s15] =	stream.strided.scatter [tilespmem:s13], [sflag:$0x8], $0x4000, s16, s15, $0x38;
	[tilespmem:$0x1A740] =	vst v63  }
0x96: {  	_ =	swait.ge [sflag:s22], $0x8000  }
0x97: {  	[sflag:s22] =	ssyncset.done $0x0  }
0x98: {  	s0 =	rddreg [dreg:$0x15];
	[sflag:s22] =	ssyncadd.s32 $0xFFFF8000  }
0x99: {  	[hbm4b:s0+s18] =	stream.strided.scatter [tilespmem:s12], [sflag:$0x6], $0x8000, s16, s18, $0x38;
	[tilespmem:$0x1A740] =	vst v63  }
0x9a: {  	_ =	swait.ge [sflag:s23], $0x8000  }
0x9b: {  	[sflag:s23] =	ssyncset.done $0x0  }
0x9c: {  	[sflag:s23] =	ssyncadd.s32 $0xFFFF8000  }
0x9d: {  	_ =	swait.ge [sflag:s24], $0x4000  }
0x9e: {  	s1 =	rddreg [dreg:$0x16];
	[sflag:s24] =	ssyncset.done $0x0  }
0x9f: {  	s5 =	sld [smem:$0x7E0];
	[sflag:s24] =	ssyncadd.s32 $0xFFFFC000  }
0xa0: {  	[tilespmem:s12], [sflag:$0x2] =	stream.linear.gather [hbm4b:s1+s3], $0x8000, $0x38;
	[tilespmem:$0x1A740] =	vst v63  }
0xa1: {  	_ = 	snop  }
0xa2: {  	[tilespmem:s13], [sflag:$0x4] =	stream.indirect.gather [spmem:s2], $0x80, s5, s10, $0xb8;
	[tilespmem:$0x1A740] =	vst v63  }
0xa3: {  	_ =	swait.ge [sflag:s14], $0x4000  }
0xa4: {  	[sflag:s14] =	ssyncset.done $0x0  }
0xa5: {  	s26 =	rddreg [dreg:$0x17];
	[sflag:s14] =	ssyncadd.s32 $0xFFFFC000  }
0xa6: {  	[hbm4b:s26+s15] =	stream.strided.scatter [tilespmem:s11], [sflag:$0x7], $0x4000, s16, s15, $0x38;
	[tilespmem:$0x1A740] =	vst v63  }
0xa7: {  	_ =	swait.ge [sflag:s17], $0x8000  }
0xa8: {  	[sflag:s17] =	ssyncset.done $0x0  }
0xa9: {  	s0 =	rddreg [dreg:$0x18];
	[sflag:s17] =	ssyncadd.s32 $0xFFFF8000  }
0xaa: {  	[hbm4b:s0+s18] =	stream.strided.scatter [tilespmem:s4], [sflag:$0x5], $0x8000, s16, s18, $0x38;
	[tilespmem:$0x1A740] =	vst v63  }
0xab: {  	_ =	swait.ge [sflag:s19], $0x8000  }
0xac: {  	[sflag:s19] =	ssyncset.done $0x0  }
0xad: {  	[sflag:s19] =	ssyncadd.s32 $0xFFFF8000  }
0xae: {  	_ =	swait.ge [sflag:s20], $0x4000  }
0xaf: {  	s1 =	rddreg [dreg:$0x19];
	[sflag:s20] =	ssyncset.done $0x0  }
0xb0: {  	s5 =	sld [smem:$0x7E1];
	[sflag:s20] =	ssyncadd.s32 $0xFFFFC000  }
0xb1: {  	[tilespmem:s4], [sflag:$0x1] =	stream.linear.gather [hbm4b:s1+s3], $0x8000, $0x38;
	[tilespmem:$0x1A740] =	vst v63  }
0xb2: {  	_ = 	snop  }
0xb3: {  	[tilespmem:s11], [sflag:$0x3] =	stream.indirect.gather [spmem:s2], $0x80, s5, s10, $0xb8;
	[tilespmem:$0x1A740] =	vst v63  }
0xb4: {  	_ =	swait.ge [sflag:s21], $0x4000  }
0xb5: {  	[sflag:s21] =	ssyncset.done $0x0  }
0xb6: {  	s26 =	rddreg [dreg:$0x1a];
	[sflag:s21] =	ssyncadd.s32 $0xFFFFC000  }
0xb7: {  	[hbm4b:s26+s15] =	stream.strided.scatter [tilespmem:s13], [sflag:$0x8], $0x4000, s16, s15, $0x38;
	[tilespmem:$0x1A740] =	vst v63  }
0xb8: {  	_ =	swait.ge [sflag:s22], $0x8000  }
0xb9: {  	[sflag:s22] =	ssyncset.done $0x0  }
0xba: {  	s0 =	rddreg [dreg:$0x1b];
	[sflag:s22] =	ssyncadd.s32 $0xFFFF8000  }
0xbb: {  	[hbm4b:s0+s18] =	stream.strided.scatter [tilespmem:s12], [sflag:$0x6], $0x8000, s16, s18, $0x38;
	[tilespmem:$0x1A740] =	vst v63  }
0xbc: {  	_ =	swait.ge [sflag:s23], $0x8000  }
0xbd: {  	[sflag:s23] =	ssyncset.done $0x0  }
0xbe: {  	[sflag:s23] =	ssyncadd.s32 $0xFFFF8000  }
0xbf: {  	_ =	swait.ge [sflag:s24], $0x4000  }
0xc0: {  	s1 =	rddreg [dreg:$0x1c];
	[sflag:s24] =	ssyncset.done $0x0  }
0xc1: {  	s5 =	sld [smem:$0x7E2];
	[sflag:s24] =	ssyncadd.s32 $0xFFFFC000  }
0xc2: {  	[tilespmem:s12], [sflag:$0x2] =	stream.linear.gather [hbm4b:s1+s3], $0x8000, $0x38;
	[tilespmem:$0x1A740] =	vst v63  }
0xc3: {  	_ = 	snop  }
0xc4: {  	[tilespmem:s13], [sflag:$0x4] =	stream.indirect.gather [spmem:s2], $0x80, s5, s10, $0xb8;
	[tilespmem:$0x1A740] =	vst v63  }
0xc5: {  	_ =	swait.ge [sflag:s14], $0x4000  }
0xc6: {  	[sflag:s14] =	ssyncset.done $0x0  }
0xc7: {  	s0 =	rddreg [dreg:$0x1d];
	[sflag:s14] =	ssyncadd.s32 $0xFFFFC000  }
0xc8: {  	[hbm4b:s0+s15] =	stream.strided.scatter [tilespmem:s11], [sflag:$0x7], $0x4000, s16, s15, $0x38;
	[tilespmem:$0x1A740] =	vst v63  }
0xc9: {  	_ =	swait.ge [sflag:s17], $0x8000  }
0xca: {  	[sflag:s17] =	ssyncset.done $0x0  }
0xcb: {  	s1 =	rddreg [dreg:$0x1e];
	[sflag:s17] =	ssyncadd.s32 $0xFFFF8000  }
0xcc: {  	[hbm4b:s1+s18] =	stream.strided.scatter [tilespmem:s4], [sflag:$0x5], $0x8000, s16, s18, $0x38;
	[tilespmem:$0x1A740] =	vst v63  }
0xcd: {  	_ =	swait.ge [sflag:s19], $0x8000  }
0xce: {  	[sflag:s19] =	ssyncset.done $0x0  }
0xcf: {  	[sflag:s19] =	ssyncadd.s32 $0xFFFF8000  }
0xd0: {  	_ =	swait.ge [sflag:s20], $0x4000  }
0xd1: {  	[sflag:s20] =	ssyncset.done $0x0  }
0xd2: {  	s5 =	rddreg [dreg:$0x1f];
	[sflag:s20] =	ssyncadd.s32 $0xFFFFC000  }
0xd3: {  	[tilespmem:s4], [sflag:$0x1] =	stream.linear.gather [hbm4b:s5+s3], $0x8000, $0x38;
	[tilespmem:$0x1A740] =	vst v63  }
0xd4: {  	_ = 	snop  }
0xd5: {  	[tilespmem:s11], [sflag:$0x3] =	stream.indirect.gather [spmem:s2], $0x80, s15, s10, $0xb8;
	[tilespmem:$0x1A740] =	vst v63  }
0xd6: {  	_ =	swait.ge [sflag:s21], $0x4000  }
0xd7: {  	s26 =	sld [smem:$0x7E3]  }
0xd8: {  	[sflag:s21] =	ssyncset.done $0x0  }
0xd9: {  	[sflag:s21] =	ssyncadd.s32 $0xFFFFC000  }
0xda: {  	[hbm4b:s26+s15] =	stream.strided.scatter [tilespmem:s13], [sflag:$0x8], $0x4000, s16, s15, $0x38;
	[tilespmem:$0x1A740] =	vst v63  }
0xdb: {  	_ =	swait.ge [sflag:s22], $0x8000  }
0xdc: {  	s0 =	sld [smem:$0x7E4]  }
0xdd: {  	[sflag:s22] =	ssyncset.done $0x0  }
0xde: {  	[sflag:s22] =	ssyncadd.s32 $0xFFFF8000  }
0xdf: {  	[hbm4b:s0+s18] =	stream.strided.scatter [tilespmem:s12], [sflag:$0x6], $0x8000, s16, s18, $0x38;
	[tilespmem:$0x1A740] =	vst v63  }
0xe0: {  	_ =	swait.ge [sflag:s23], $0x8000  }
0xe1: {  	[sflag:s23] =	ssyncset.done $0x0  }
0xe2: {  	[sflag:s23] =	ssyncadd.s32 $0xFFFF8000  }
0xe3: {  	_ =	swait.ge [sflag:s24], $0x4000  }
0xe4: {  	s1 =	sld [smem:$0x7E5]  }
0xe5: {  	[sflag:s24] =	ssyncset.done $0x0  }
0xe6: {  	s5 =	sld [smem:$0x7E6];
	[sflag:s24] =	ssyncadd.s32 $0xFFFFC000  }
0xe7: {  	[tilespmem:s12], [sflag:$0x2] =	stream.linear.gather [hbm4b:s1+s3], $0x8000, $0x38;
	[tilespmem:$0x1A740] =	vst v63  }
0xe8: {  	_ = 	snop  }
0xe9: {  	[tilespmem:s13], [sflag:$0x4] =	stream.indirect.gather [spmem:s2], $0x80, s5, s10, $0xb8;
	[tilespmem:$0x1A740] =	vst v63  }
0xea: {  	_ =	swait.ge [sflag:s14], $0x4000  }
0xeb: {  	s26 =	sld [smem:$0x7E7]  }
0xec: {  	[sflag:s14] =	ssyncset.done $0x0  }
0xed: {  	[sflag:s14] =	ssyncadd.s32 $0xFFFFC000  }
0xee: {  	[hbm4b:s26+s15] =	stream.strided.scatter [tilespmem:s11], [sflag:$0x7], $0x4000, s16, s15, $0x38;
	[tilespmem:$0x1A740] =	vst v63  }
0xef: {  	_ =	swait.ge [sflag:s17], $0x8000  }
0xf0: {  	s0 =	sld [smem:$0x7E8]  }
0xf1: {  	[sflag:s17] =	ssyncset.done $0x0  }
0xf2: {  	[sflag:s17] =	ssyncadd.s32 $0xFFFF8000  }
0xf3: {  	[hbm4b:s0+s18] =	stream.strided.scatter [tilespmem:s4], [sflag:$0x5], $0x8000, s16, s18, $0x38;
	[tilespmem:$0x1A740] =	vst v63  }
0xf4: {  	_ =	swait.ge [sflag:s19], $0x8000  }
0xf5: {  	[sflag:s19] =	ssyncset.done $0x0  }
0xf6: {  	[sflag:s19] =	ssyncadd.s32 $0xFFFF8000  }
0xf7: {  	_ =	swait.ge [sflag:s20], $0x4000  }
0xf8: {  	s1 =	sld [smem:$0x7E9]  }
0xf9: {  	[sflag:s20] =	ssyncset.done $0x0  }
0xfa: {  	s5 =	sld [smem:$0x7EA];
	[sflag:s20] =	ssyncadd.s32 $0xFFFFC000  }
0xfb: {  	[tilespmem:s4], [sflag:$0x1] =	stream.linear.gather [hbm4b:s1+s3], $0x8000, $0x38;
	[tilespmem:$0x1A740] =	vst v63  }
0xfc: {  	_ = 	snop  }
0xfd: {  	[tilespmem:s11], [sflag:$0x3] =	stream.indirect.gather [spmem:s2], $0x80, s5, s10, $0xb8;
	[tilespmem:$0x1A740] =	vst v63  }
0xfe: {  	_ =	swait.ge [sflag:s21], $0x4000  }
0xff: {  	s26 =	sld [smem:$0x7EB]  }
0x100: {  	[sflag:s21] =	ssyncset.done $0x0  }
0x101: {  	[sflag:s21] =	ssyncadd.s32 $0xFFFFC000  }
0x102: {  	[hbm4b:s26+s15] =	stream.strided.scatter [tilespmem:s13], [sflag:$0x8], $0x4000, s16, s15, $0x38;
	[tilespmem:$0x1A740] =	vst v63  }
0x103: {  	_ =	swait.ge [sflag:s22], $0x8000  }
0x104: {  	s0 =	sld [smem:$0x7EC]  }
0x105: {  	[sflag:s22] =	ssyncset.done $0x0  }
0x106: {  	[sflag:s22] =	ssyncadd.s32 $0xFFFF8000  }
0x107: {  	[hbm4b:s0+s18] =	stream.strided.scatter [tilespmem:s12], [sflag:$0x6], $0x8000, s16, s18, $0x38;
	[tilespmem:$0x1A740] =	vst v63  }
0x108: {  	_ =	swait.ge [sflag:s23], $0x8000  }
0x109: {  	[sflag:s23] =	ssyncset.done $0x0  }
0x10a: {  	[sflag:s23] =	ssyncadd.s32 $0xFFFF8000  }
0x10b: {  	_ =	swait.ge [sflag:s24], $0x4000  }
0x10c: {  	s1 =	sld [smem:$0x7ED]  }
0x10d: {  	[sflag:s24] =	ssyncset.done $0x0  }
0x10e: {  	[sflag:s24] =	ssyncadd.s32 $0xFFFFC000  }
0x10f: {  	[tilespmem:s12], [sflag:$0x2] =	stream.linear.gather [hbm4b:s1+s3], $0x8000, $0x38;
	[tilespmem:$0x1A740] =	vst v63  }
0x110: {  	s25 =	simm.s32 $0x580  }
0x111: {  	[tilespmem:s13], [sflag:$0x4] =	stream.indirect.gather [spmem:s2], $0x80, s25, s10, $0xb8;
	[tilespmem:$0x1A740] =	vst v63  }
0x112: {  	_ =	swait.ge [sflag:s14], $0x4000  }
0x113: {  	s5 =	sld [smem:$0x7EE]  }
0x114: {  	[sflag:s14] =	ssyncset.done $0x0  }
0x115: {  	[sflag:s14] =	ssyncadd.s32 $0xFFFFC000  }
0x116: {  	[hbm4b:s5+s15] =	stream.strided.scatter [tilespmem:s11], [sflag:$0x7], $0x4000, s16, s15, $0x38;
	[tilespmem:$0x1A740] =	vst v63  }
0x117: {  	_ =	swait.ge [sflag:s17], $0x8000  }
0x118: {  	s0 =	sld [smem:$0x7EF]  }
0x119: {  	[sflag:s17] =	ssyncset.done $0x0  }
0x11a: {  	[sflag:s17] =	ssyncadd.s32 $0xFFFF8000  }
0x11b: {  	[hbm4b:s0+s18] =	stream.strided.scatter [tilespmem:s4], [sflag:$0x5], $0x8000, s16, s18, $0x38;
	[tilespmem:$0x1A740] =	vst v63  }
0x11c: {  	_ =	swait.ge [sflag:s19], $0x8000  }
0x11d: {  	[sflag:s19] =	ssyncset.done $0x0  }
0x11e: {  	[sflag:s19] =	ssyncadd.s32 $0xFFFF8000  }
0x11f: {  	_ =	swait.ge [sflag:s20], $0x4000  }
0x120: {  	s1 =	sld [smem:$0x7F0]  }
0x121: {  	[sflag:s20] =	ssyncset.done $0x0  }
0x122: {  	[sflag:s20] =	ssyncadd.s32 $0xFFFFC000  }
0x123: {  	[tilespmem:s4], [sflag:$0x1] =	stream.linear.gather [hbm4b:s1+s3], $0x8000, $0x38;
	[tilespmem:$0x1A740] =	vst v63  }
0x124: {  	s26 =	simm.s32 $0x600  }
0x125: {  	[tilespmem:s11], [sflag:$0x3] =	stream.indirect.gather [spmem:s2], $0x80, s26, s10, $0xb8;
	[tilespmem:$0x1A740] =	vst v63  }
0x126: {  	_ =	swait.ge [sflag:s21], $0x4000  }
0x127: {  	s28 =	sld [smem:$0x7F1]  }
0x128: {  	[sflag:s21] =	ssyncset.done $0x0  }
0x129: {  	[sflag:s21] =	ssyncadd.s32 $0xFFFFC000  }
0x12a: {  	[hbm4b:s28+s15] =	stream.strided.scatter [tilespmem:s13], [sflag:$0x8], $0x4000, s16, s15, $0x38;
	[tilespmem:$0x1A740] =	vst v63  }
0x12b: {  	_ =	swait.ge [sflag:s22], $0x8000  }
0x12c: {  	s28 =	sld [smem:$0x7F2]  }
0x12d: {  	[sflag:s22] =	ssyncset.done $0x0  }
0x12e: {  	[sflag:s22] =	ssyncadd.s32 $0xFFFF8000  }
0x12f: {  	[hbm4b:s28+s18] =	stream.strided.scatter [tilespmem:s12], [sflag:$0x6], $0x8000, s16, s18, $0x38;
	[tilespmem:$0x1A740] =	vst v63  }
0x130: {  	_ =	swait.ge [sflag:s23], $0x8000  }
0x131: {  	[sflag:s23] =	ssyncset.done $0x0  }
0x132: {  	[sflag:s23] =	ssyncadd.s32 $0xFFFF8000  }
0x133: {  	_ =	swait.ge [sflag:s24], $0x4000  }
0x134: {  	s28 =	sld [smem:$0x7F3]  }
0x135: {  	[sflag:s24] =	ssyncset.done $0x0  }
0x136: {  	[sflag:s24] =	ssyncadd.s32 $0xFFFFC000  }
0x137: {  	[tilespmem:s12], [sflag:$0x2] =	stream.linear.gather [hbm4b:s28+s3], $0x8000, $0x38;
	[tilespmem:$0x1A740] =	vst v63  }
0x138: {  	s28 =	simm.s32 $0x680  }
0x139: {  	[tilespmem:s13], [sflag:$0x4] =	stream.indirect.gather [spmem:s2], $0x80, s28, s10, $0xb8;
	[tilespmem:$0x1A740] =	vst v63  }
0x13a: {  	_ =	swait.ge [sflag:s14], $0x4000  }
0x13b: {  	s29 =	sld [smem:$0x7F4]  }
0x13c: {  	[sflag:s14] =	ssyncset.done $0x0  }
0x13d: {  	[sflag:s14] =	ssyncadd.s32 $0xFFFFC000  }
0x13e: {  	[hbm4b:s29+s15] =	stream.strided.scatter [tilespmem:s11], [sflag:$0x7], $0x4000, s16, s15, $0x38;
	[tilespmem:$0x1A740] =	vst v63  }
0x13f: {  	_ =	swait.ge [sflag:s17], $0x8000  }
0x140: {  	s29 =	sld [smem:$0x7F5]  }
0x141: {  	[sflag:s17] =	ssyncset.done $0x0  }
0x142: {  	[sflag:s17] =	ssyncadd.s32 $0xFFFF8000  }
0x143: {  	[hbm4b:s29+s18] =	stream.strided.scatter [tilespmem:s4], [sflag:$0x5], $0x8000, s16, s18, $0x38;
	[tilespmem:$0x1A740] =	vst v63  }
0x144: {  	_ =	swait.ge [sflag:s19], $0x8000  }
0x145: {  	[sflag:s19] =	ssyncset.done $0x0  }
0x146: {  	[sflag:s19] =	ssyncadd.s32 $0xFFFF8000  }
0x147: {  	_ =	swait.ge [sflag:s20], $0x4000  }
0x148: {  	s29 =	sld [smem:$0x7F6]  }
0x149: {  	[sflag:s20] =	ssyncset.done $0x0  }
0x14a: {  	[sflag:s20] =	ssyncadd.s32 $0xFFFFC000  }
0x14b: {  	[tilespmem:s4], [sflag:$0x1] =	stream.linear.gather [hbm4b:s29+s3], $0x8000, $0x38;
	[tilespmem:$0x1A740] =	vst v63  }
0x14c: {  	s29 =	simm.s32 $0x700  }
0x14d: {  	[tilespmem:s11], [sflag:$0x3] =	stream.indirect.gather [spmem:s2], $0x80, s29, s10, $0xb8;
	[tilespmem:$0x1A740] =	vst v63  }
0x14e: {  	_ =	swait.ge [sflag:s21], $0x4000  }
0x14f: {  	s30 =	sld [smem:$0x7F7]  }
0x150: {  	[sflag:s21] =	ssyncset.done $0x0  }
0x151: {  	[sflag:s21] =	ssyncadd.s32 $0xFFFFC000  }
0x152: {  	[hbm4b:s30+s15] =	stream.strided.scatter [tilespmem:s13], [sflag:$0x8], $0x4000, s16, s15, $0x38;
	[tilespmem:$0x1A740] =	vst v63  }
0x153: {  	_ =	swait.ge [sflag:s22], $0x8000  }
0x154: {  	s30 =	sld [smem:$0x7F8]  }
0x155: {  	[sflag:s22] =	ssyncset.done $0x0  }
0x156: {  	[sflag:s22] =	ssyncadd.s32 $0xFFFF8000  }
0x157: {  	[hbm4b:s30+s18] =	stream.strided.scatter [tilespmem:s12], [sflag:$0x6], $0x8000, s16, s18, $0x38;
	[tilespmem:$0x1A740] =	vst v63  }
0x158: {  	_ =	swait.ge [sflag:s23], $0x8000  }
0x159: {  	[sflag:s23] =	ssyncset.done $0x0  }
0x15a: {  	[sflag:s23] =	ssyncadd.s32 $0xFFFF8000  }
0x15b: {  	_ =	swait.ge [sflag:s24], $0x4000  }
0x15c: {  	s30 =	sld [smem:$0x7F9]  }
0x15d: {  	[sflag:s24] =	ssyncset.done $0x0  }
0x15e: {  	[sflag:s24] =	ssyncadd.s32 $0xFFFFC000  }
0x15f: {  	[tilespmem:s12], [sflag:$0x2] =	stream.linear.gather [hbm4b:s30+s3], $0x8000, $0x38;
	[tilespmem:$0x1A740] =	vst v63  }
0x160: {  	s30 =	simm.s32 $0x780  }
0x161: {  	[tilespmem:s13], [sflag:$0x4] =	stream.indirect.gather [spmem:s2], $0x80, s30, s10, $0xb8;
	[tilespmem:$0x1A740] =	vst v63  }
0x162: {  	_ =	swait.ge [sflag:s14], $0x4000  }
0x163: {  	s5 =	sld [smem:$0x7FA]  }
0x164: {  	[sflag:s14] =	ssyncset.done $0x0  }
0x165: {  	[sflag:s14] =	ssyncadd.s32 $0xFFFFC000  }
0x166: {  	[hbm4b:s5+s15] =	stream.strided.scatter [tilespmem:s11], [sflag:$0x7], $0x4000, s16, s15, $0x38;
	[tilespmem:$0x1A740] =	vst v63  }
0x167: {  	_ =	swait.ge [sflag:s17], $0x8000  }
0x168: {  	s0 =	sld [smem:$0x7FB]  }
0x169: {  	[sflag:s17] =	ssyncset.done $0x0  }
0x16a: {  	[sflag:s17] =	ssyncadd.s32 $0xFFFF8000  }
0x16b: {  	[hbm4b:s0+s18] =	stream.strided.scatter [tilespmem:s4], [sflag:$0x5], $0x8000, s16, s18, $0x38;
	[tilespmem:$0x1A740] =	vst v63  }
0x16c: {  	_ =	swait.ge [sflag:s21], $0x4000  }
0x16d: {  	s5 =	sld [smem:$0x7FC]  }
0x16e: {  	[sflag:s21] =	ssyncset.done $0x0  }
0x16f: {  	[sflag:s21] =	ssyncadd.s32 $0xFFFFC000  }
0x170: {  	[hbm4b:s5+s15] =	stream.strided.scatter [tilespmem:s13], [sflag:$0x8], $0x4000, s16, s15, $0x38;
	[tilespmem:$0x1A740] =	vst v63  }
0x171: {  	_ =	swait.ge [sflag:s22], $0x8000  }
0x172: {  	s0 =	sld [smem:$0x7FD]  }
0x173: {  	[sflag:s22] =	ssyncset.done $0x0  }
0x174: {  	s5 =	ssub.s32 $0x2, s31;
	[sflag:s22] =	ssyncadd.s32 $0xFFFF8000  }
0x175: {  	[hbm4b:s0+s18] =	stream.strided.scatter [tilespmem:s12], [sflag:$0x6], $0x8000, s16, s18, $0x38;
	[tilespmem:$0x1A740] =	vst v63  }
0x176: {  	s31 =	sshrl.u32 s5, $0x1;
	_ =	swait.ge [sflag:s19], $0x8000  }
0x177: {  	s1 =	ssub.s32 s5, s31;
	[sflag:s19] =	ssyncset.done $0x0  }
0x178: {  	s1 =	smax.u32 s1, $0x1;
	[sflag:s19] =	ssyncadd.s32 $0xFFFF8000  }
0x179: {  	s31 =	sadd.s32 $0xFFFFFFFF, s1;
	_ =	swait.ge [sflag:s20], $0x4000  }
0x17a: {  	p1 =	sne.s32 s31, $0x0;
	[sflag:s20] =	ssyncset.done $0x0  }
.Ltmp0:
0x17b: {  	[sflag:s20] =	ssyncadd.s32 $0xFFFFC000;
	(pc) =	sbr.rel @!p1 .LBB2_2-.Ltmp0, $4  }
0x17c: {  	_ =	swait.ge [sflag:s23], $0x8000  }
0x17d: {  	[sflag:s23] =	ssyncset.done $0x0  }
0x17e: {  	[sflag:s23] =	ssyncadd.s32 $0xFFFF8000  }
0x17f: {  	_ =	swait.ge [sflag:s24], $0x4000  }
.LBB2_1:
0x180: {  	s1 =	sld [smem:$0x7DB];
	[sflag:s24] =	ssyncset.done $0x0  }
0x181: {  	s0 =	rddreg [dreg:$0x6];
	[sflag:s24] =	ssyncadd.s32 $0xFFFFC000  }
0x182: {  	[tilespmem:s4], [sflag:$0x1] =	stream.linear.gather [hbm4b:s0+s3], $0x8000, $0x38;
	[tilespmem:$0x1A740] =	vst v63  }
0x183: {  	s5 =	rddreg [dreg:$0x8];
	s0 =	simm.s32 @p0 $0x1FC9  }
0x184: {  	[spmem:s1], [sflag:s0] =	dma.local @p0 [hbm:s5], $0x280  }
0x185: {  	_ =	swait.ge @p0 [sflag:s6], $0x280  }
0x186: {  	s1 =	sld [smem:$0x7DC]  }
0x187: {  	[sflag:s6] =	ssyncset.done @p0 $0x0  }
0x188: {  	s0 =	rddreg [dreg:$0x7];
	[sflag:s6] =	ssyncadd.s32 @p0 $0xFFFFFD80  }
0x189: {  	[spmem:s1], [sflag:s7] =	dma.local @!p0 [hbm:s0], $0x400  }
0x18a: {  	_ =	swait.ge @!p0 [sflag:s8], $0x400  }
0x18b: {  	[sflag:s8] =	ssyncset.done @!p0 $0x0  }
0x18c: {  	s1 =	rddreg [dreg:$0x9];
	[sflag:s8] =	ssyncadd.s32 @!p0 $0xFFFFFC00  }
0x18d: {  	[tilespmem:s3], [sflag:$0x9] =	stream.linear.gather [hbm4b:s1+s3], $0x800, $0x38;
	[tilespmem:$0x1A740] =	vst v63  }
0x18e: {  	_ =	swait.ge [sflag:s9], $0x800  }
0x18f: {  	[sflag:s9] =	ssyncset.done $0x0  }
0x190: {  	[sflag:s9] =	ssyncadd.s32 $0xFFFFF800  }
0x191: {  	[bflag:$0x0] =	sbarrier.arrive $0xFFFF  }
0x192: {  	[tilespmem:s11], [sflag:$0x3] =	stream.indirect.gather [spmem:s2], $0x80, s3, s10, $0xb8;
	[tilespmem:$0x1A740] =	vst v63  }
0x193: {  	s5 =	rddreg [dreg:$0xa]  }
0x194: {  	[tilespmem:s12], [sflag:$0x2] =	stream.linear.gather [hbm4b:s5+s3], $0x8000, $0x38;
	[tilespmem:$0x1A740] =	vst v63  }
0x195: {  	_ = 	snop  }
0x196: {  	[tilespmem:s13], [sflag:$0x4] =	stream.indirect.gather [spmem:s2], $0x80, s10, s10, $0xb8;
	[tilespmem:$0x1A740] =	vst v63  }
0x197: {  	_ =	swait.ge [sflag:s14], $0x4000  }
0x198: {  	[sflag:s14] =	ssyncset.done $0x0  }
0x199: {  	s1 =	rddreg [dreg:$0xb];
	[sflag:s14] =	ssyncadd.s32 $0xFFFFC000  }
0x19a: {  	[hbm4b:s1+s15] =	stream.strided.scatter [tilespmem:s11], [sflag:$0x7], $0x4000, s16, s15, $0x38;
	[tilespmem:$0x1A740] =	vst v63  }
0x19b: {  	_ =	swait.ge [sflag:s17], $0x8000  }
0x19c: {  	[sflag:s17] =	ssyncset.done $0x0  }
0x19d: {  	s5 =	rddreg [dreg:$0xc];
	[sflag:s17] =	ssyncadd.s32 $0xFFFF8000  }
0x19e: {  	[hbm4b:s5+s18] =	stream.strided.scatter [tilespmem:s4], [sflag:$0x5], $0x8000, s16, s18, $0x38;
	[tilespmem:$0x1A740] =	vst v63  }
0x19f: {  	_ =	swait.ge [sflag:s19], $0x8000  }
0x1a0: {  	[sflag:s19] =	ssyncset.done $0x0  }
0x1a1: {  	[sflag:s19] =	ssyncadd.s32 $0xFFFF8000  }
0x1a2: {  	_ =	swait.ge [sflag:s20], $0x4000  }
0x1a3: {  	[sflag:s20] =	ssyncset.done $0x0;
	s1 =	rddreg [dreg:$0xd]  }
0x1a4: {  	s5 =	sld [smem:$0x7DD];
	[sflag:s20] =	ssyncadd.s32 $0xFFFFC000  }
0x1a5: {  	[tilespmem:s4], [sflag:$0x1] =	stream.linear.gather [hbm4b:s1+s3], $0x8000, $0x38;
	[tilespmem:$0x1A740] =	vst v63  }
0x1a6: {  	_ = 	snop  }
0x1a7: {  	[tilespmem:s11], [sflag:$0x3] =	stream.indirect.gather [spmem:s2], $0x80, s5, s10, $0xb8;
	[tilespmem:$0x1A740] =	vst v63  }
0x1a8: {  	_ =	swait.ge [sflag:s21], $0x4000  }
0x1a9: {  	[sflag:s21] =	ssyncset.done $0x0  }
0x1aa: {  	s1 =	rddreg [dreg:$0xe];
	[sflag:s21] =	ssyncadd.s32 $0xFFFFC000  }
0x1ab: {  	[hbm4b:s1+s15] =	stream.strided.scatter [tilespmem:s13], [sflag:$0x8], $0x4000, s16, s15, $0x38;
	[tilespmem:$0x1A740] =	vst v63  }
0x1ac: {  	_ =	swait.ge [sflag:s22], $0x8000  }
0x1ad: {  	[sflag:s22] =	ssyncset.done $0x0  }
0x1ae: {  	s5 =	rddreg [dreg:$0xf];
	[sflag:s22] =	ssyncadd.s32 $0xFFFF8000  }
0x1af: {  	[hbm4b:s5+s18] =	stream.strided.scatter [tilespmem:s12], [sflag:$0x6], $0x8000, s16, s18, $0x38;
	[tilespmem:$0x1A740] =	vst v63  }
0x1b0: {  	_ =	swait.ge [sflag:s23], $0x8000  }
0x1b1: {  	[sflag:s23] =	ssyncset.done $0x0  }
0x1b2: {  	[sflag:s23] =	ssyncadd.s32 $0xFFFF8000  }
0x1b3: {  	_ =	swait.ge [sflag:s24], $0x4000  }
0x1b4: {  	[sflag:s24] =	ssyncset.done $0x0;
	s1 =	rddreg [dreg:$0x10]  }
0x1b5: {  	s5 =	sld [smem:$0x7DE];
	[sflag:s24] =	ssyncadd.s32 $0xFFFFC000  }
0x1b6: {  	[tilespmem:s12], [sflag:$0x2] =	stream.linear.gather [hbm4b:s1+s3], $0x8000, $0x38;
	[tilespmem:$0x1A740] =	vst v63  }
0x1b7: {  	_ = 	snop  }
0x1b8: {  	[tilespmem:s13], [sflag:$0x4] =	stream.indirect.gather [spmem:s2], $0x80, s5, s10, $0xb8;
	[tilespmem:$0x1A740] =	vst v63  }
0x1b9: {  	_ =	swait.ge [sflag:s14], $0x4000  }
0x1ba: {  	[sflag:s14] =	ssyncset.done $0x0  }
0x1bb: {  	s1 =	rddreg [dreg:$0x11];
	[sflag:s14] =	ssyncadd.s32 $0xFFFFC000  }
0x1bc: {  	[hbm4b:s1+s15] =	stream.strided.scatter [tilespmem:s11], [sflag:$0x7], $0x4000, s16, s15, $0x38;
	[tilespmem:$0x1A740] =	vst v63  }
0x1bd: {  	_ =	swait.ge [sflag:s17], $0x8000  }
0x1be: {  	[sflag:s17] =	ssyncset.done $0x0  }
0x1bf: {  	s5 =	rddreg [dreg:$0x12];
	[sflag:s17] =	ssyncadd.s32 $0xFFFF8000  }
0x1c0: {  	[hbm4b:s5+s18] =	stream.strided.scatter [tilespmem:s4], [sflag:$0x5], $0x8000, s16, s18, $0x38;
	[tilespmem:$0x1A740] =	vst v63  }
0x1c1: {  	_ =	swait.ge [sflag:s19], $0x8000  }
0x1c2: {  	[sflag:s19] =	ssyncset.done $0x0  }
0x1c3: {  	[sflag:s19] =	ssyncadd.s32 $0xFFFF8000  }
0x1c4: {  	_ =	swait.ge [sflag:s20], $0x4000  }
0x1c5: {  	[sflag:s20] =	ssyncset.done $0x0;
	s1 =	rddreg [dreg:$0x13]  }
0x1c6: {  	s5 =	sld [smem:$0x7DF];
	[sflag:s20] =	ssyncadd.s32 $0xFFFFC000  }
0x1c7: {  	[tilespmem:s4], [sflag:$0x1] =	stream.linear.gather [hbm4b:s1+s3], $0x8000, $0x38;
	[tilespmem:$0x1A740] =	vst v63  }
0x1c8: {  	_ = 	snop  }
0x1c9: {  	[tilespmem:s11], [sflag:$0x3] =	stream.indirect.gather [spmem:s2], $0x80, s5, s10, $0xb8;
	[tilespmem:$0x1A740] =	vst v63  }
0x1ca: {  	_ =	swait.ge [sflag:s21], $0x4000  }
0x1cb: {  	[sflag:s21] =	ssyncset.done $0x0  }
0x1cc: {  	s1 =	rddreg [dreg:$0x14];
	[sflag:s21] =	ssyncadd.s32 $0xFFFFC000  }
0x1cd: {  	[hbm4b:s1+s15] =	stream.strided.scatter [tilespmem:s13], [sflag:$0x8], $0x4000, s16, s15, $0x38;
	[tilespmem:$0x1A740] =	vst v63  }
0x1ce: {  	_ =	swait.ge [sflag:s22], $0x8000  }
0x1cf: {  	[sflag:s22] =	ssyncset.done $0x0  }
0x1d0: {  	s5 =	rddreg [dreg:$0x15];
	[sflag:s22] =	ssyncadd.s32 $0xFFFF8000  }
0x1d1: {  	[hbm4b:s5+s18] =	stream.strided.scatter [tilespmem:s12], [sflag:$0x6], $0x8000, s16, s18, $0x38;
	[tilespmem:$0x1A740] =	vst v63  }
0x1d2: {  	_ =	swait.ge [sflag:s23], $0x8000  }
0x1d3: {  	[sflag:s23] =	ssyncset.done $0x0  }
0x1d4: {  	[sflag:s23] =	ssyncadd.s32 $0xFFFF8000  }
0x1d5: {  	_ =	swait.ge [sflag:s24], $0x4000  }
0x1d6: {  	[sflag:s24] =	ssyncset.done $0x0;
	s1 =	rddreg [dreg:$0x16]  }
0x1d7: {  	s5 =	sld [smem:$0x7E0];
	[sflag:s24] =	ssyncadd.s32 $0xFFFFC000  }
0x1d8: {  	[tilespmem:s12], [sflag:$0x2] =	stream.linear.gather [hbm4b:s1+s3], $0x8000, $0x38;
	[tilespmem:$0x1A740] =	vst v63  }
0x1d9: {  	_ = 	snop  }
0x1da: {  	[tilespmem:s13], [sflag:$0x4] =	stream.indirect.gather [spmem:s2], $0x80, s5, s10, $0xb8;
	[tilespmem:$0x1A740] =	vst v63  }
0x1db: {  	_ =	swait.ge [sflag:s14], $0x4000  }
0x1dc: {  	[sflag:s14] =	ssyncset.done $0x0  }
0x1dd: {  	s1 =	rddreg [dreg:$0x17];
	[sflag:s14] =	ssyncadd.s32 $0xFFFFC000  }
0x1de: {  	[hbm4b:s1+s15] =	stream.strided.scatter [tilespmem:s11], [sflag:$0x7], $0x4000, s16, s15, $0x38;
	[tilespmem:$0x1A740] =	vst v63  }
0x1df: {  	_ =	swait.ge [sflag:s17], $0x8000  }
0x1e0: {  	[sflag:s17] =	ssyncset.done $0x0  }
0x1e1: {  	s5 =	rddreg [dreg:$0x18];
	[sflag:s17] =	ssyncadd.s32 $0xFFFF8000  }
0x1e2: {  	[hbm4b:s5+s18] =	stream.strided.scatter [tilespmem:s4], [sflag:$0x5], $0x8000, s16, s18, $0x38;
	[tilespmem:$0x1A740] =	vst v63  }
0x1e3: {  	_ =	swait.ge [sflag:s19], $0x8000  }
0x1e4: {  	[sflag:s19] =	ssyncset.done $0x0  }
0x1e5: {  	[sflag:s19] =	ssyncadd.s32 $0xFFFF8000  }
0x1e6: {  	_ =	swait.ge [sflag:s20], $0x4000  }
0x1e7: {  	[sflag:s20] =	ssyncset.done $0x0;
	s1 =	rddreg [dreg:$0x19]  }
0x1e8: {  	s5 =	sld [smem:$0x7E1];
	[sflag:s20] =	ssyncadd.s32 $0xFFFFC000  }
0x1e9: {  	[tilespmem:s4], [sflag:$0x1] =	stream.linear.gather [hbm4b:s1+s3], $0x8000, $0x38;
	[tilespmem:$0x1A740] =	vst v63  }
0x1ea: {  	_ = 	snop  }
0x1eb: {  	[tilespmem:s11], [sflag:$0x3] =	stream.indirect.gather [spmem:s2], $0x80, s5, s10, $0xb8;
	[tilespmem:$0x1A740] =	vst v63  }
0x1ec: {  	_ =	swait.ge [sflag:s21], $0x4000  }
0x1ed: {  	[sflag:s21] =	ssyncset.done $0x0  }
0x1ee: {  	s1 =	rddreg [dreg:$0x1a];
	[sflag:s21] =	ssyncadd.s32 $0xFFFFC000  }
0x1ef: {  	[hbm4b:s1+s15] =	stream.strided.scatter [tilespmem:s13], [sflag:$0x8], $0x4000, s16, s15, $0x38;
	[tilespmem:$0x1A740] =	vst v63  }
0x1f0: {  	_ =	swait.ge [sflag:s22], $0x8000  }
0x1f1: {  	[sflag:s22] =	ssyncset.done $0x0  }
0x1f2: {  	s5 =	rddreg [dreg:$0x1b];
	[sflag:s22] =	ssyncadd.s32 $0xFFFF8000  }
0x1f3: {  	[hbm4b:s5+s18] =	stream.strided.scatter [tilespmem:s12], [sflag:$0x6], $0x8000, s16, s18, $0x38;
	[tilespmem:$0x1A740] =	vst v63  }
0x1f4: {  	_ =	swait.ge [sflag:s23], $0x8000  }
0x1f5: {  	[sflag:s23] =	ssyncset.done $0x0  }
0x1f6: {  	[sflag:s23] =	ssyncadd.s32 $0xFFFF8000  }
0x1f7: {  	_ =	swait.ge [sflag:s24], $0x4000  }
0x1f8: {  	[sflag:s24] =	ssyncset.done $0x0;
	s1 =	rddreg [dreg:$0x1c]  }
0x1f9: {  	s5 =	sld [smem:$0x7E2];
	[sflag:s24] =	ssyncadd.s32 $0xFFFFC000  }
0x1fa: {  	[tilespmem:s12], [sflag:$0x2] =	stream.linear.gather [hbm4b:s1+s3], $0x8000, $0x38;
	[tilespmem:$0x1A740] =	vst v63  }
0x1fb: {  	_ = 	snop  }
0x1fc: {  	[tilespmem:s13], [sflag:$0x4] =	stream.indirect.gather [spmem:s2], $0x80, s5, s10, $0xb8;
	[tilespmem:$0x1A740] =	vst v63  }
0x1fd: {  	_ =	swait.ge [sflag:s14], $0x4000  }
0x1fe: {  	[sflag:s14] =	ssyncset.done $0x0  }
0x1ff: {  	s5 =	rddreg [dreg:$0x1d];
	[sflag:s14] =	ssyncadd.s32 $0xFFFFC000  }
0x200: {  	[hbm4b:s5+s15] =	stream.strided.scatter [tilespmem:s11], [sflag:$0x7], $0x4000, s16, s15, $0x38;
	[tilespmem:$0x1A740] =	vst v63  }
0x201: {  	_ =	swait.ge [sflag:s17], $0x8000  }
0x202: {  	[sflag:s17] =	ssyncset.done $0x0  }
0x203: {  	s1 =	rddreg [dreg:$0x1e];
	[sflag:s17] =	ssyncadd.s32 $0xFFFF8000  }
0x204: {  	[hbm4b:s1+s18] =	stream.strided.scatter [tilespmem:s4], [sflag:$0x5], $0x8000, s16, s18, $0x38;
	[tilespmem:$0x1A740] =	vst v63  }
0x205: {  	_ =	swait.ge [sflag:s19], $0x8000  }
0x206: {  	[sflag:s19] =	ssyncset.done $0x0  }
0x207: {  	[sflag:s19] =	ssyncadd.s32 $0xFFFF8000  }
0x208: {  	_ =	swait.ge [sflag:s20], $0x4000  }
0x209: {  	[sflag:s20] =	ssyncset.done $0x0  }
0x20a: {  	s5 =	rddreg [dreg:$0x1f];
	[sflag:s20] =	ssyncadd.s32 $0xFFFFC000  }
0x20b: {  	[tilespmem:s4], [sflag:$0x1] =	stream.linear.gather [hbm4b:s5+s3], $0x8000, $0x38;
	[tilespmem:$0x1A740] =	vst v63  }
0x20c: {  	_ = 	snop  }
0x20d: {  	[tilespmem:s11], [sflag:$0x3] =	stream.indirect.gather [spmem:s2], $0x80, s15, s10, $0xb8;
	[tilespmem:$0x1A740] =	vst v63  }
0x20e: {  	_ =	swait.ge [sflag:s21], $0x4000  }
0x20f: {  	s1 =	sld [smem:$0x7E3]  }
0x210: {  	[sflag:s21] =	ssyncset.done $0x0  }
0x211: {  	[sflag:s21] =	ssyncadd.s32 $0xFFFFC000  }
0x212: {  	[hbm4b:s1+s15] =	stream.strided.scatter [tilespmem:s13], [sflag:$0x8], $0x4000, s16, s15, $0x38;
	[tilespmem:$0x1A740] =	vst v63  }
0x213: {  	_ =	swait.ge [sflag:s22], $0x8000  }
0x214: {  	s5 =	sld [smem:$0x7E4]  }
0x215: {  	[sflag:s22] =	ssyncset.done $0x0  }
0x216: {  	[sflag:s22] =	ssyncadd.s32 $0xFFFF8000  }
0x217: {  	[hbm4b:s5+s18] =	stream.strided.scatter [tilespmem:s12], [sflag:$0x6], $0x8000, s16, s18, $0x38;
	[tilespmem:$0x1A740] =	vst v63  }
0x218: {  	_ =	swait.ge [sflag:s23], $0x8000  }
0x219: {  	[sflag:s23] =	ssyncset.done $0x0  }
0x21a: {  	[sflag:s23] =	ssyncadd.s32 $0xFFFF8000  }
0x21b: {  	_ =	swait.ge [sflag:s24], $0x4000  }
0x21c: {  	s1 =	sld [smem:$0x7E5]  }
0x21d: {  	[sflag:s24] =	ssyncset.done $0x0  }
0x21e: {  	s5 =	sld [smem:$0x7E6];
	[sflag:s24] =	ssyncadd.s32 $0xFFFFC000  }
0x21f: {  	[tilespmem:s12], [sflag:$0x2] =	stream.linear.gather [hbm4b:s1+s3], $0x8000, $0x38;
	[tilespmem:$0x1A740] =	vst v63  }
0x220: {  	_ = 	snop  }
0x221: {  	[tilespmem:s13], [sflag:$0x4] =	stream.indirect.gather [spmem:s2], $0x80, s5, s10, $0xb8;
	[tilespmem:$0x1A740] =	vst v63  }
0x222: {  	_ =	swait.ge [sflag:s14], $0x4000  }
0x223: {  	s1 =	sld [smem:$0x7E7]  }
0x224: {  	[sflag:s14] =	ssyncset.done $0x0  }
0x225: {  	[sflag:s14] =	ssyncadd.s32 $0xFFFFC000  }
0x226: {  	[hbm4b:s1+s15] =	stream.strided.scatter [tilespmem:s11], [sflag:$0x7], $0x4000, s16, s15, $0x38;
	[tilespmem:$0x1A740] =	vst v63  }
0x227: {  	_ =	swait.ge [sflag:s17], $0x8000  }
0x228: {  	s5 =	sld [smem:$0x7E8]  }
0x229: {  	[sflag:s17] =	ssyncset.done $0x0  }
0x22a: {  	[sflag:s17] =	ssyncadd.s32 $0xFFFF8000  }
0x22b: {  	[hbm4b:s5+s18] =	stream.strided.scatter [tilespmem:s4], [sflag:$0x5], $0x8000, s16, s18, $0x38;
	[tilespmem:$0x1A740] =	vst v63  }
0x22c: {  	_ =	swait.ge [sflag:s19], $0x8000  }
0x22d: {  	[sflag:s19] =	ssyncset.done $0x0  }
0x22e: {  	[sflag:s19] =	ssyncadd.s32 $0xFFFF8000  }
0x22f: {  	_ =	swait.ge [sflag:s20], $0x4000  }
0x230: {  	s1 =	sld [smem:$0x7E9]  }
0x231: {  	[sflag:s20] =	ssyncset.done $0x0  }
0x232: {  	s5 =	sld [smem:$0x7EA];
	[sflag:s20] =	ssyncadd.s32 $0xFFFFC000  }
0x233: {  	[tilespmem:s4], [sflag:$0x1] =	stream.linear.gather [hbm4b:s1+s3], $0x8000, $0x38;
	[tilespmem:$0x1A740] =	vst v63  }
0x234: {  	_ = 	snop  }
0x235: {  	[tilespmem:s11], [sflag:$0x3] =	stream.indirect.gather [spmem:s2], $0x80, s5, s10, $0xb8;
	[tilespmem:$0x1A740] =	vst v63  }
0x236: {  	_ =	swait.ge [sflag:s21], $0x4000  }
0x237: {  	s5 =	sld [smem:$0x7EB]  }
0x238: {  	[sflag:s21] =	ssyncset.done $0x0  }
0x239: {  	[sflag:s21] =	ssyncadd.s32 $0xFFFFC000  }
0x23a: {  	[hbm4b:s5+s15] =	stream.strided.scatter [tilespmem:s13], [sflag:$0x8], $0x4000, s16, s15, $0x38;
	[tilespmem:$0x1A740] =	vst v63  }
0x23b: {  	_ =	swait.ge [sflag:s22], $0x8000  }
0x23c: {  	s1 =	sld [smem:$0x7EC]  }
0x23d: {  	[sflag:s22] =	ssyncset.done $0x0  }
0x23e: {  	[sflag:s22] =	ssyncadd.s32 $0xFFFF8000  }
0x23f: {  	[hbm4b:s1+s18] =	stream.strided.scatter [tilespmem:s12], [sflag:$0x6], $0x8000, s16, s18, $0x38;
	[tilespmem:$0x1A740] =	vst v63  }
0x240: {  	_ =	swait.ge [sflag:s23], $0x8000  }
0x241: {  	[sflag:s23] =	ssyncset.done $0x0  }
0x242: {  	[sflag:s23] =	ssyncadd.s32 $0xFFFF8000  }
0x243: {  	_ =	swait.ge [sflag:s24], $0x4000  }
0x244: {  	s5 =	sld [smem:$0x7ED]  }
0x245: {  	[sflag:s24] =	ssyncset.done $0x0  }
0x246: {  	[sflag:s24] =	ssyncadd.s32 $0xFFFFC000  }
0x247: {  	[tilespmem:s12], [sflag:$0x2] =	stream.linear.gather [hbm4b:s5+s3], $0x8000, $0x38;
	[tilespmem:$0x1A740] =	vst v63  }
0x248: {  	_ = 	snop  }
0x249: {  	[tilespmem:s13], [sflag:$0x4] =	stream.indirect.gather [spmem:s2], $0x80, s25, s10, $0xb8;
	[tilespmem:$0x1A740] =	vst v63  }
0x24a: {  	_ =	swait.ge [sflag:s14], $0x4000  }
0x24b: {  	s1 =	sld [smem:$0x7EE]  }
0x24c: {  	[sflag:s14] =	ssyncset.done $0x0  }
0x24d: {  	[sflag:s14] =	ssyncadd.s32 $0xFFFFC000  }
0x24e: {  	[hbm4b:s1+s15] =	stream.strided.scatter [tilespmem:s11], [sflag:$0x7], $0x4000, s16, s15, $0x38;
	[tilespmem:$0x1A740] =	vst v63  }
0x24f: {  	_ =	swait.ge [sflag:s17], $0x8000  }
0x250: {  	s5 =	sld [smem:$0x7EF]  }
0x251: {  	[sflag:s17] =	ssyncset.done $0x0  }
0x252: {  	[sflag:s17] =	ssyncadd.s32 $0xFFFF8000  }
0x253: {  	[hbm4b:s5+s18] =	stream.strided.scatter [tilespmem:s4], [sflag:$0x5], $0x8000, s16, s18, $0x38;
	[tilespmem:$0x1A740] =	vst v63  }
0x254: {  	_ =	swait.ge [sflag:s19], $0x8000  }
0x255: {  	[sflag:s19] =	ssyncset.done $0x0  }
0x256: {  	[sflag:s19] =	ssyncadd.s32 $0xFFFF8000  }
0x257: {  	_ =	swait.ge [sflag:s20], $0x4000  }
0x258: {  	s1 =	sld [smem:$0x7F0]  }
0x259: {  	[sflag:s20] =	ssyncset.done $0x0  }
0x25a: {  	[sflag:s20] =	ssyncadd.s32 $0xFFFFC000  }
0x25b: {  	[tilespmem:s4], [sflag:$0x1] =	stream.linear.gather [hbm4b:s1+s3], $0x8000, $0x38;
	[tilespmem:$0x1A740] =	vst v63  }
0x25c: {  	_ = 	snop  }
0x25d: {  	[tilespmem:s11], [sflag:$0x3] =	stream.indirect.gather [spmem:s2], $0x80, s26, s10, $0xb8;
	[tilespmem:$0x1A740] =	vst v63  }
0x25e: {  	_ =	swait.ge [sflag:s21], $0x4000  }
0x25f: {  	s5 =	sld [smem:$0x7F1]  }
0x260: {  	[sflag:s21] =	ssyncset.done $0x0  }
0x261: {  	[sflag:s21] =	ssyncadd.s32 $0xFFFFC000  }
0x262: {  	[hbm4b:s5+s15] =	stream.strided.scatter [tilespmem:s13], [sflag:$0x8], $0x4000, s16, s15, $0x38;
	[tilespmem:$0x1A740] =	vst v63  }
0x263: {  	_ =	swait.ge [sflag:s22], $0x8000  }
0x264: {  	s1 =	sld [smem:$0x7F2]  }
0x265: {  	[sflag:s22] =	ssyncset.done $0x0  }
0x266: {  	[sflag:s22] =	ssyncadd.s32 $0xFFFF8000  }
0x267: {  	[hbm4b:s1+s18] =	stream.strided.scatter [tilespmem:s12], [sflag:$0x6], $0x8000, s16, s18, $0x38;
	[tilespmem:$0x1A740] =	vst v63  }
0x268: {  	_ =	swait.ge [sflag:s23], $0x8000  }
0x269: {  	[sflag:s23] =	ssyncset.done $0x0  }
0x26a: {  	[sflag:s23] =	ssyncadd.s32 $0xFFFF8000  }
0x26b: {  	_ =	swait.ge [sflag:s24], $0x4000  }
0x26c: {  	s5 =	sld [smem:$0x7F3]  }
0x26d: {  	[sflag:s24] =	ssyncset.done $0x0  }
0x26e: {  	[sflag:s24] =	ssyncadd.s32 $0xFFFFC000  }
0x26f: {  	[tilespmem:s12], [sflag:$0x2] =	stream.linear.gather [hbm4b:s5+s3], $0x8000, $0x38;
	[tilespmem:$0x1A740] =	vst v63  }
0x270: {  	_ = 	snop  }
0x271: {  	[tilespmem:s13], [sflag:$0x4] =	stream.indirect.gather [spmem:s2], $0x80, s28, s10, $0xb8;
	[tilespmem:$0x1A740] =	vst v63  }
0x272: {  	_ =	swait.ge [sflag:s14], $0x4000  }
0x273: {  	s1 =	sld [smem:$0x7F4]  }
0x274: {  	[sflag:s14] =	ssyncset.done $0x0  }
0x275: {  	[sflag:s14] =	ssyncadd.s32 $0xFFFFC000  }
0x276: {  	[hbm4b:s1+s15] =	stream.strided.scatter [tilespmem:s11], [sflag:$0x7], $0x4000, s16, s15, $0x38;
	[tilespmem:$0x1A740] =	vst v63  }
0x277: {  	_ =	swait.ge [sflag:s17], $0x8000  }
0x278: {  	s5 =	sld [smem:$0x7F5]  }
0x279: {  	[sflag:s17] =	ssyncset.done $0x0  }
0x27a: {  	[sflag:s17] =	ssyncadd.s32 $0xFFFF8000  }
0x27b: {  	[hbm4b:s5+s18] =	stream.strided.scatter [tilespmem:s4], [sflag:$0x5], $0x8000, s16, s18, $0x38;
	[tilespmem:$0x1A740] =	vst v63  }
0x27c: {  	_ =	swait.ge [sflag:s19], $0x8000  }
0x27d: {  	[sflag:s19] =	ssyncset.done $0x0  }
0x27e: {  	[sflag:s19] =	ssyncadd.s32 $0xFFFF8000  }
0x27f: {  	_ =	swait.ge [sflag:s20], $0x4000  }
0x280: {  	s1 =	sld [smem:$0x7F6]  }
0x281: {  	[sflag:s20] =	ssyncset.done $0x0  }
0x282: {  	[sflag:s20] =	ssyncadd.s32 $0xFFFFC000  }
0x283: {  	[tilespmem:s4], [sflag:$0x1] =	stream.linear.gather [hbm4b:s1+s3], $0x8000, $0x38;
	[tilespmem:$0x1A740] =	vst v63  }
0x284: {  	_ = 	snop  }
0x285: {  	[tilespmem:s11], [sflag:$0x3] =	stream.indirect.gather [spmem:s2], $0x80, s29, s10, $0xb8;
	[tilespmem:$0x1A740] =	vst v63  }
0x286: {  	_ =	swait.ge [sflag:s21], $0x4000  }
0x287: {  	s5 =	sld [smem:$0x7F7]  }
0x288: {  	[sflag:s21] =	ssyncset.done $0x0  }
0x289: {  	[sflag:s21] =	ssyncadd.s32 $0xFFFFC000  }
0x28a: {  	[hbm4b:s5+s15] =	stream.strided.scatter [tilespmem:s13], [sflag:$0x8], $0x4000, s16, s15, $0x38;
	[tilespmem:$0x1A740] =	vst v63  }
0x28b: {  	_ =	swait.ge [sflag:s22], $0x8000  }
0x28c: {  	s1 =	sld [smem:$0x7F8]  }
0x28d: {  	[sflag:s22] =	ssyncset.done $0x0  }
0x28e: {  	[sflag:s22] =	ssyncadd.s32 $0xFFFF8000  }
0x28f: {  	[hbm4b:s1+s18] =	stream.strided.scatter [tilespmem:s12], [sflag:$0x6], $0x8000, s16, s18, $0x38;
	[tilespmem:$0x1A740] =	vst v63  }
0x290: {  	_ =	swait.ge [sflag:s23], $0x8000  }
0x291: {  	[sflag:s23] =	ssyncset.done $0x0  }
0x292: {  	[sflag:s23] =	ssyncadd.s32 $0xFFFF8000  }
0x293: {  	_ =	swait.ge [sflag:s24], $0x4000  }
0x294: {  	s5 =	sld [smem:$0x7F9]  }
0x295: {  	[sflag:s24] =	ssyncset.done $0x0  }
0x296: {  	[sflag:s24] =	ssyncadd.s32 $0xFFFFC000  }
0x297: {  	[tilespmem:s12], [sflag:$0x2] =	stream.linear.gather [hbm4b:s5+s3], $0x8000, $0x38;
	[tilespmem:$0x1A740] =	vst v63  }
0x298: {  	_ = 	snop  }
0x299: {  	[tilespmem:s13], [sflag:$0x4] =	stream.indirect.gather [spmem:s2], $0x80, s30, s10, $0xb8;
	[tilespmem:$0x1A740] =	vst v63  }
0x29a: {  	_ =	swait.ge [sflag:s14], $0x4000  }
0x29b: {  	s1 =	sld [smem:$0x7FA]  }
0x29c: {  	[sflag:s14] =	ssyncset.done $0x0  }
0x29d: {  	[sflag:s14] =	ssyncadd.s32 $0xFFFFC000  }
0x29e: {  	[hbm4b:s1+s15] =	stream.strided.scatter [tilespmem:s11], [sflag:$0x7], $0x4000, s16, s15, $0x38;
	[tilespmem:$0x1A740] =	vst v63  }
0x29f: {  	_ =	swait.ge [sflag:s17], $0x8000  }
0x2a0: {  	s5 =	sld [smem:$0x7FB]  }
0x2a1: {  	[sflag:s17] =	ssyncset.done $0x0  }
0x2a2: {  	[sflag:s17] =	ssyncadd.s32 $0xFFFF8000  }
0x2a3: {  	[hbm4b:s5+s18] =	stream.strided.scatter [tilespmem:s4], [sflag:$0x5], $0x8000, s16, s18, $0x38;
	[tilespmem:$0x1A740] =	vst v63  }
0x2a4: {  	_ =	swait.ge [sflag:s21], $0x4000  }
0x2a5: {  	s1 =	sld [smem:$0x7FC]  }
0x2a6: {  	[sflag:s21] =	ssyncset.done $0x0  }
0x2a7: {  	[sflag:s21] =	ssyncadd.s32 $0xFFFFC000  }
0x2a8: {  	[hbm4b:s1+s15] =	stream.strided.scatter [tilespmem:s13], [sflag:$0x8], $0x4000, s16, s15, $0x38;
	[tilespmem:$0x1A740] =	vst v63  }
0x2a9: {  	_ =	swait.ge [sflag:s22], $0x8000  }
0x2aa: {  	s5 =	sld [smem:$0x7FD]  }
0x2ab: {  	[sflag:s22] =	ssyncset.done $0x0  }
0x2ac: {  	[sflag:s22] =	ssyncadd.s32 $0xFFFF8000  }
0x2ad: {  	[hbm4b:s5+s18] =	stream.strided.scatter [tilespmem:s12], [sflag:$0x6], $0x8000, s16, s18, $0x38;
	[tilespmem:$0x1A740] =	vst v63  }
0x2ae: {  	_ =	swait.ge [sflag:s19], $0x8000  }
0x2af: {  	[sflag:s19] =	ssyncset.done $0x0  }
0x2b0: {  	[sflag:s19] =	ssyncadd.s32 $0xFFFF8000  }
0x2b1: {  	s31 =	sadd.s32 $0xFFFFFFFF, s31;
	_ =	swait.ge [sflag:s20], $0x4000  }
0x2b2: {  	p1 =	sne.s32 s31, $0x0;
	[sflag:s20] =	ssyncset.done $0x0  }
.Ltmp1:
0x2b3: {  	[sflag:s20] =	ssyncadd.s32 $0xFFFFC000;
	(pc) =	sbr.rel @p1 .LBB2_1-.Ltmp1, $4  }
0x2b4: {  	_ =	swait.ge [sflag:s23], $0x8000  }
0x2b5: {  	[sflag:s23] =	ssyncset.done $0x0  }
0x2b6: {  	[sflag:s23] =	ssyncadd.s32 $0xFFFF8000  }
0x2b7: {  	_ =	swait.ge [sflag:s24], $0x4000  }
.LBB2_2:
0x2b8: {  	[sflag:s24] =	ssyncset.done $0x0  }
0x2b9: {  	[sflag:s24] =	ssyncadd.s32 $0xFFFFC000  }
0x2ba: {  	_ =	sfence.sel $0x180000  }
0x2bb: {  	[bflag:$0x0] =	sbarrier.arrive $0xFFFF  }
0x2bc: {  	_ =	strace $0x90000047  }
0x2bd: {  	s0 =	stileid.u32;
	[bflag:$0x2] =	sbarrier.arrive $0xFFFF  }
0x2be: {  	p0 =	sne.s32 s0, $0x0;
	s0 =	rddreg [dreg:$0x5]  }
0x2bf: {  	s0 =	sadd.s32 @!p0 $0x100000, s0  }
0x2c0: {  	[sflag:s0] =	ssyncadd.tile.s32 @!p0 $0x1;
	_ =	shalt  }
.Lfunc_end2:
_tile_overlayer_lowered:
.L_overlay_start_2:
0x2c1: {  	(tag) =	ssettag $0x2  }
0x2c2: {  	s0 =	rddreg [dreg:$0x0];
	s2 =	stileid.u32  }
0x2c3: {  	s1 =	rddreg [dreg:$0x1];
	p0 =	sne.s32 s2, $0x0  }
0x2c4: {  	s3 =	rddreg [dreg:$0x2];
	[bflag:$0x3] =	sbarrier.arrive $0xFFFF;
	s2 =	simm.s32 @!p0 $0x1C09  }
0x2c5: {  	[timem:s3], [sflag:s2] =	dma.local @!p0 [hbm:s0], s1  }
0x2c6: {  	s0 =	simm.s32 @!p0 $0x9  }
0x2c7: {  	_ =	swait.ge @!p0 [sflag:s0], s1  }
0x2c8: {  	s1 =	ssub.s32 @!p0 $0x0, s1;
	[sflag:s0] =	ssyncset.done @!p0 $0x0  }
0x2c9: {  	[sflag:s0] =	ssyncadd.s32 @!p0 s1  }
0x2ca: {  	[bflag:$0x3] =	sbarrier.arrive $0xFFFF  }
0x2cb: {  	_ =	shalt  }

</sc_bundles>
